<compile_context>
chip_gen: v7x
topology: tpu7x:2x2x1
jax: 0.10.2.dev20260603
libtpu: 0.0.44.dev20260713+nightly
codegen_flags: <defaults>
</compile_context>

<pallas_src>
import jax
import jax.numpy as jnp
from jax import lax
from jax.experimental import pallas as pl
from jax.experimental.pallas import tpu as pltpu
from jax.experimental.pallas import tpu_sc as plsc

HIDDEN = 64
NC, NS = 2, 16
NW = NC * NS
W = 128
NBUF = 8


def kernel(input_ids, table):
    B, T = input_ids.shape
    n = B * T
    per_w = n // NW
    steps = per_w // W
    ids_flat = input_ids.reshape(n)

    mesh = plsc.VectorSubcoreMesh(core_axis_name="c", subcore_axis_name="s")

    @jax.jit
    def run(tbl, ids):
        @pl.kernel(
            out_type=jax.ShapeDtypeStruct((n, HIDDEN), jnp.float32),
            mesh=mesh,
            compiler_params=pltpu.CompilerParams(use_tc_tiling_on_sc=False),
            scratch_types=[
                pltpu.VMEM((per_w,), jnp.int32),
            ]
            + [pltpu.VMEM((W, HIDDEN), jnp.float32)] * NBUF
            + [pltpu.SemaphoreType.DMA]
            + [pltpu.SemaphoreType.DMA] * NBUF
            + [pltpu.SemaphoreType.DMA] * NBUF,
        )
        def k(tbl_hbm, ids_hbm, out_hbm, ids_all, *bufs):
            g = bufs[:NBUF]
            semi = bufs[NBUF]
            semg = bufs[NBUF + 1 : 2 * NBUF + 1]
            semo = bufs[2 * NBUF + 1 :]

            wid = lax.axis_index("s") * NC + lax.axis_index("c")
            base = wid * per_w

            pltpu.async_copy(ids_hbm.at[pl.ds(base, per_w)], ids_all, semi)
            pltpu.make_async_copy(
                ids_hbm.at[pl.ds(0, per_w)], ids_all, semi
            ).wait()

            def start_gather(s, b):
                pltpu.async_copy(
                    tbl_hbm.at[ids_all.at[pl.ds(s * W, W)]], g[b], semg[b]
                )

            def wait_gather(b):
                pltpu.make_async_copy(
                    tbl_hbm.at[ids_all.at[pl.ds(0, W)]], g[b], semg[b]
                ).wait()

            def start_out(s, b):
                off = base + s * W
                pltpu.async_copy(g[b], out_hbm.at[pl.ds(off, W)], semo[b])

            def wait_out(b):
                pltpu.make_async_copy(
                    g[b], out_hbm.at[pl.ds(0, W)], semo[b]
                ).wait()

            start_gather(0, 0)
            start_gather(1, 1)
            start_gather(2, 2)

            def body(s, b):
                b3 = (b + 3) % NBUF

                wait_gather(b)
                start_out(s, b)

                @pl.when(s + 3 < steps)
                def _():
                    @pl.when(s >= NBUF - 3)
                    def _():
                        wait_out(b3)

                    start_gather(s + 3, b3)

            @pl.loop(0, steps // NBUF)
            def _(i):
                for j in range(NBUF):
                    body(NBUF * i + j, j)

            for b in range(NBUF):
                wait_out(b)

        return k(tbl, ids)

    return run(table, ids_flat).reshape(B, T, HIDDEN)

# --- scband reference (transcript-rebuilt; emitter-appended) ---
"""Pipeline reference for scband-token-embedding-61959198212566 (READ-ONLY COPY).

The authoritative reference and input builder live on the scoring server;
editing this copy changes nothing except your own understanding.
"""

import jax, jax.numpy as jnp
import numpy as np

VOCAB = 1000000
HIDDEN = 64
PAD_ID = 0
INIT_RANGE = 0.02


def setup_inputs(seed: int = 0) -> dict:
    key = jax.random.key(seed)
    k_idx, k_tbl = jax.random.split(key)
    input_ids = jax.random.randint(k_idx, (4096, 200), 0, VOCAB, dtype=jnp.int32)
    table = jax.random.normal(k_tbl, (VOCAB, HIDDEN), dtype=jnp.float32) * INIT_RANGE
    # padding_idx row is zeroed, matching nn.Embedding(padding_idx=0)
    table = table.at[PAD_ID].set(0.0)
    return {"input_ids": input_ids, "table": table}


def reference(input_ids, table):
    # Faithful to nn.Embedding with padding_idx: padding row contributes zeros.
    tbl = table.at[PAD_ID].set(0.0)
    return jnp.take(tbl, input_ids, axis=0)

if __name__ == "__main__":
    import jax
    _d = setup_inputs()
    print(jax.jit(kernel)(*tuple(_d.values())))

</pallas_src>

<mosaic_0001>
#map = affine_map<(d0, d1) -> (0, 0)>
#map1 = affine_map<(d0, d1) -> (0)>
module attributes {stable_mosaic.version = 14 : i64} {
  func.func @k(%arg0: i32, %arg1: i32, %arg2: memref<1000000x64xf32, #tpu.memory_space<hbm>>, %arg3: memref<819200xi32, #tpu.memory_space<hbm>>, %arg4: memref<819200x64xf32, #tpu.memory_space<hbm>>, %arg5: memref<25600xi32, #tpu.memory_space<vmem>>, %arg6: memref<128x64xf32, #tpu.memory_space<vmem>>, %arg7: memref<128x64xf32, #tpu.memory_space<vmem>>, %arg8: memref<128x64xf32, #tpu.memory_space<vmem>>, %arg9: memref<128x64xf32, #tpu.memory_space<vmem>>, %arg10: memref<128x64xf32, #tpu.memory_space<vmem>>, %arg11: memref<128x64xf32, #tpu.memory_space<vmem>>, %arg12: memref<128x64xf32, #tpu.memory_space<vmem>>, %arg13: memref<128x64xf32, #tpu.memory_space<vmem>>, %arg14: memref<!tpu.dma_semaphore, #tpu.memory_space<semaphore_mem>>, %arg15: memref<!tpu.dma_semaphore, #tpu.memory_space<semaphore_mem>>, %arg16: memref<!tpu.dma_semaphore, #tpu.memory_space<semaphore_mem>>, %arg17: memref<!tpu.dma_semaphore, #tpu.memory_space<semaphore_mem>>, %arg18: memref<!tpu.dma_semaphore, #tpu.memory_space<semaphore_mem>>, %arg19: memref<!tpu.dma_semaphore, #tpu.memory_space<semaphore_mem>>, %arg20: memref<!tpu.dma_semaphore, #tpu.memory_space<semaphore_mem>>, %arg21: memref<!tpu.dma_semaphore, #tpu.memory_space<semaphore_mem>>, %arg22: memref<!tpu.dma_semaphore, #tpu.memory_space<semaphore_mem>>, %arg23: memref<!tpu.dma_semaphore, #tpu.memory_space<semaphore_mem>>, %arg24: memref<!tpu.dma_semaphore, #tpu.memory_space<semaphore_mem>>, %arg25: memref<!tpu.dma_semaphore, #tpu.memory_space<semaphore_mem>>, %arg26: memref<!tpu.dma_semaphore, #tpu.memory_space<semaphore_mem>>, %arg27: memref<!tpu.dma_semaphore, #tpu.memory_space<semaphore_mem>>, %arg28: memref<!tpu.dma_semaphore, #tpu.memory_space<semaphore_mem>>, %arg29: memref<!tpu.dma_semaphore, #tpu.memory_space<semaphore_mem>>, %arg30: memref<!tpu.dma_semaphore, #tpu.memory_space<semaphore_mem>>) attributes {dimension_semantics = [#tpu.dimension_semantics<core_parallel>, #tpu.dimension_semantics<subcore_parallel>], iteration_bounds = array<i64: 2, 16>, scalar_prefetch = 0 : i64, scratch_operands = 26 : i64, tpu.core_type = #tpu.core_type<sc_vector_subcore>, window_params = [{transform_indices = #map}, {transform_indices = #map1}, {transform_indices = #map}]} {
    %mul3A = arith.constant 2 : i32
    %mul3A_0 = arith.muli %arg1, %mul3A : i32
    %add3A = arith.addi %mul3A_0, %arg0 : i32
    %mul3A_1 = arith.constant 25600 : i32
    %mul3A_2 = arith.muli %add3A, %mul3A_1 : i32
    %dma_start3A = tpu.memref_slice %arg3[%mul3A_2] : memref<819200xi32, #tpu.memory_space<hbm>> -> memref<25600xi32, #tpu.memory_space<hbm>>
    %dma_start3A_3 = tpu.memref_slice %arg3[%mul3A_2] : memref<819200xi32, #tpu.memory_space<hbm>> -> memref<25600xi32, #tpu.memory_space<hbm>>
    tpu.enqueue_dma source(%dma_start3A_3 : memref<25600xi32, #tpu.memory_space<hbm>>) target(%arg5 : memref<25600xi32, #tpu.memory_space<vmem>>) target_semaphore(%arg14 : memref<!tpu.dma_semaphore, #tpu.memory_space<semaphore_mem>>)
    %dma_wait3A = arith.constant 0 : i32
    %dma_wait3A_4 = tpu.memref_slice %arg3[%dma_wait3A] : memref<819200xi32, #tpu.memory_space<hbm>> -> memref<25600xi32, #tpu.memory_space<hbm>>
    %dma_wait3A_5 = arith.constant 0 : i32
    %dma_wait3A_6 = tpu.memref_slice %arg3[%dma_wait3A_5] : memref<819200xi32, #tpu.memory_space<hbm>> -> memref<25600xi32, #tpu.memory_space<hbm>>
    tpu.wait_dma2 semaphore(%arg14 : memref<!tpu.dma_semaphore, #tpu.memory_space<semaphore_mem>>) src(%dma_wait3A_6 : memref<25600xi32, #tpu.memory_space<hbm>>) dst(%arg5 : memref<25600xi32, #tpu.memory_space<vmem>>)
    %dma_start3A_7 = arith.constant 0 : i32
    %dma_start3A_8 = tpu.memref_slice %arg5[%dma_start3A_7] : memref<25600xi32, #tpu.memory_space<vmem>> -> memref<128xi32, #tpu.memory_space<vmem>>
    %dma_start3A_9 = arith.constant 0 : i32
    %dma_start3A_10 = arith.constant 0 : i32
    %dma_start3A_11 = tpu.memref_slice %arg2[%dma_start3A_9, %dma_start3A_10] : memref<1000000x64xf32, #tpu.memory_space<hbm>> -> memref<1000000x64xf32, #tpu.memory_space<hbm>>
    tpu.enqueue_indirect_dma source(%dma_start3A_11 : memref<1000000x64xf32, #tpu.memory_space<hbm>>) target(%arg6 : memref<128x64xf32, #tpu.memory_space<vmem>>) offsets(%dma_start3A_8 : memref<128xi32, #tpu.memory_space<vmem>>) semaphore(%arg15 : memref<!tpu.dma_semaphore, #tpu.memory_space<semaphore_mem>>)
    %dma_start3A_12 = arith.constant 128 : i32
    %dma_start3A_13 = tpu.memref_slice %arg5[%dma_start3A_12] : memref<25600xi32, #tpu.memory_space<vmem>> -> memref<128xi32, #tpu.memory_space<vmem>>
    %dma_start3A_14 = arith.constant 0 : i32
    %dma_start3A_15 = arith.constant 0 : i32
    %dma_start3A_16 = tpu.memref_slice %arg2[%dma_start3A_14, %dma_start3A_15] : memref<1000000x64xf32, #tpu.memory_space<hbm>> -> memref<1000000x64xf32, #tpu.memory_space<hbm>>
    tpu.enqueue_indirect_dma source(%dma_start3A_16 : memref<1000000x64xf32, #tpu.memory_space<hbm>>) target(%arg7 : memref<128x64xf32, #tpu.memory_space<vmem>>) offsets(%dma_start3A_13 : memref<128xi32, #tpu.memory_space<vmem>>) semaphore(%arg16 : memref<!tpu.dma_semaphore, #tpu.memory_space<semaphore_mem>>)
    %dma_start3A_17 = arith.constant 256 : i32
    %dma_start3A_18 = tpu.memref_slice %arg5[%dma_start3A_17] : memref<25600xi32, #tpu.memory_space<vmem>> -> memref<128xi32, #tpu.memory_space<vmem>>
    %dma_start3A_19 = arith.constant 0 : i32
    %dma_start3A_20 = arith.constant 0 : i32
    %dma_start3A_21 = tpu.memref_slice %arg2[%dma_start3A_19, %dma_start3A_20] : memref<1000000x64xf32, #tpu.memory_space<hbm>> -> memref<1000000x64xf32, #tpu.memory_space<hbm>>
    tpu.enqueue_indirect_dma source(%dma_start3A_21 : memref<1000000x64xf32, #tpu.memory_space<hbm>>) target(%arg8 : memref<128x64xf32, #tpu.memory_space<vmem>>) offsets(%dma_start3A_18 : memref<128xi32, #tpu.memory_space<vmem>>) semaphore(%arg17 : memref<!tpu.dma_semaphore, #tpu.memory_space<semaphore_mem>>)
    %scan3A = arith.constant 0 : i32
    %scan3A_22 = arith.constant 25 : i32
    %scan3A_23 = arith.addi %scan3A, %scan3A_22 : i32
    %scan3A_24 = arith.constant 1 : i32
    scf.for %scan3A_74 = %scan3A to %scan3A_23 step %scan3A_24  : i32 {
      %mul3A_75 = arith.constant 1 : i32
      %mul3A_76 = arith.muli %scan3A_74, %mul3A_75 : i32
      %add3A_77 = arith.constant 0 : i32
      %add3A_78 = arith.addi %add3A_77, %mul3A_76 : i32
      %mul3A_79 = arith.constant 8 : i32
      %mul3A_80 = arith.muli %mul3A_79, %add3A_78 : i32
      %add3A_81 = arith.constant 0 : i32
      %add3A_82 = arith.addi %mul3A_80, %add3A_81 : i32
      %dma_wait3A_83 = arith.constant 0 : i32
      %dma_wait3A_84 = tpu.memref_slice %arg5[%dma_wait3A_83] : memref<25600xi32, #tpu.memory_space<vmem>> -> memref<128xi32, #tpu.memory_space<vmem>>
      %dma_wait3A_85 = arith.constant 0 : i32
      %dma_wait3A_86 = arith.constant 0 : i32
      %dma_wait3A_87 = tpu.memref_slice %arg2[%dma_wait3A_85, %dma_wait3A_86] : memref<1000000x64xf32, #tpu.memory_space<hbm>> -> memref<1000000x64xf32, #tpu.memory_space<hbm>>
      tpu.wait_indirect_dma semaphore(%arg15 : memref<!tpu.dma_semaphore, #tpu.memory_space<semaphore_mem>>) src(%dma_wait3A_87 : memref<1000000x64xf32, #tpu.memory_space<hbm>>) dst(%arg6 : memref<128x64xf32, #tpu.memory_space<vmem>>)
      %mul3A_88 = arith.constant 128 : i32
      %mul3A_89 = arith.muli %add3A_82, %mul3A_88 : i32
      %add3A_90 = arith.addi %mul3A_2, %mul3A_89 : i32
      %dma_start3A_91 = arith.constant 0 : i32
      %dma_start3A_92 = tpu.memref_slice %arg4[%add3A_90, %dma_start3A_91] : memref<819200x64xf32, #tpu.memory_space<hbm>> -> memref<128x64xf32, #tpu.memory_space<hbm>>
      %dma_start3A_93 = arith.constant 0 : i32
      %dma_start3A_94 = tpu.memref_slice %arg4[%add3A_90, %dma_start3A_93] : memref<819200x64xf32, #tpu.memory_space<hbm>> -> memref<128x64xf32, #tpu.memory_space<hbm>>
      tpu.enqueue_dma source(%arg6 : memref<128x64xf32, #tpu.memory_space<vmem>>) target(%dma_start3A_94 : memref<128x64xf32, #tpu.memory_space<hbm>>) target_semaphore(%arg23 : memref<!tpu.dma_semaphore, #tpu.memory_space<semaphore_mem>>)
      %add3A_95 = arith.constant 3 : i32
      %add3A_96 = arith.addi %add3A_82, %add3A_95 : i32
      %lt3A = arith.constant 200 : i32
      %lt3A_97 = arith.cmpi slt, %add3A_96, %lt3A : i32
      %convert_element_type3A = arith.extui %lt3A_97 : i1 to i32
      %cond3A = arith.constant 0 : i32
      %cond3A_98 = arith.cmpi ne, %convert_element_type3A, %cond3A : i32
      scf.if %cond3A_98 {
        %ge3A = arith.constant 5 : i32
        %ge3A_260 = arith.cmpi sge, %add3A_82, %ge3A : i32
        %convert_element_type3A_261 = arith.extui %ge3A_260 : i1 to i32
        %cond3A_262 = arith.constant 0 : i32
        %cond3A_263 = arith.cmpi ne, %convert_element_type3A_261, %cond3A_262 : i32
        scf.if %cond3A_263 {
          %dma_wait3A_272 = arith.constant 0 : i32
          %dma_wait3A_273 = arith.constant 0 : i32
          %dma_wait3A_274 = tpu.memref_slice %arg4[%dma_wait3A_272, %dma_wait3A_273] : memref<819200x64xf32, #tpu.memory_space<hbm>> -> memref<128x64xf32, #tpu.memory_space<hbm>>
          %dma_wait3A_275 = arith.constant 0 : i32
          %dma_wait3A_276 = arith.constant 0 : i32
          %dma_wait3A_277 = tpu.memref_slice %arg4[%dma_wait3A_275, %dma_wait3A_276] : memref<819200x64xf32, #tpu.memory_space<hbm>> -> memref<128x64xf32, #tpu.memory_space<hbm>>
          tpu.wait_dma2 semaphore(%arg26 : memref<!tpu.dma_semaphore, #tpu.memory_space<semaphore_mem>>) src(%arg9 : memref<128x64xf32, #tpu.memory_space<vmem>>) dst(%dma_wait3A_277 : memref<128x64xf32, #tpu.memory_space<hbm>>)
        } else {
        }
        %add3A_264 = arith.constant 3 : i32
        %add3A_265 = arith.addi %add3A_82, %add3A_264 : i32
        %mul3A_266 = arith.constant 128 : i32
        %mul3A_267 = arith.muli %add3A_265, %mul3A_266 : i32
        %dma_start3A_268 = tpu.memref_slice %arg5[%mul3A_267] : memref<25600xi32, #tpu.memory_space<vmem>> -> memref<128xi32, #tpu.memory_space<vmem>>
        %dma_start3A_269 = arith.constant 0 : i32
        %dma_start3A_270 = arith.constant 0 : i32
        %dma_start3A_271 = tpu.memref_slice %arg2[%dma_start3A_269, %dma_start3A_270] : memref<1000000x64xf32, #tpu.memory_space<hbm>> -> memref<1000000x64xf32, #tpu.memory_space<hbm>>
        tpu.enqueue_indirect_dma source(%dma_start3A_271 : memref<1000000x64xf32, #tpu.memory_space<hbm>>) target(%arg9 : memref<128x64xf32, #tpu.memory_space<vmem>>) offsets(%dma_start3A_268 : memref<128xi32, #tpu.memory_space<vmem>>) semaphore(%arg18 : memref<!tpu.dma_semaphore, #tpu.memory_space<semaphore_mem>>)
      } else {
      }
      %mul3A_99 = arith.constant 8 : i32
      %mul3A_100 = arith.muli %mul3A_99, %add3A_78 : i32
      %add3A_101 = arith.constant 1 : i32
      %add3A_102 = arith.addi %mul3A_100, %add3A_101 : i32
      %dma_wait3A_103 = arith.constant 0 : i32
      %dma_wait3A_104 = tpu.memref_slice %arg5[%dma_wait3A_103] : memref<25600xi32, #tpu.memory_space<vmem>> -> memref<128xi32, #tpu.memory_space<vmem>>
      %dma_wait3A_105 = arith.constant 0 : i32
      %dma_wait3A_106 = arith.constant 0 : i32
      %dma_wait3A_107 = tpu.memref_slice %arg2[%dma_wait3A_105, %dma_wait3A_106] : memref<1000000x64xf32, #tpu.memory_space<hbm>> -> memref<1000000x64xf32, #tpu.memory_space<hbm>>
      tpu.wait_indirect_dma semaphore(%arg16 : memref<!tpu.dma_semaphore, #tpu.memory_space<semaphore_mem>>) src(%dma_wait3A_107 : memref<1000000x64xf32, #tpu.memory_space<hbm>>) dst(%arg7 : memref<128x64xf32, #tpu.memory_space<vmem>>)
      %mul3A_108 = arith.constant 128 : i32
      %mul3A_109 = arith.muli %add3A_102, %mul3A_108 : i32
      %add3A_110 = arith.addi %mul3A_2, %mul3A_109 : i32
      %dma_start3A_111 = arith.constant 0 : i32
      %dma_start3A_112 = tpu.memref_slice %arg4[%add3A_110, %dma_start3A_111] : memref<819200x64xf32, #tpu.memory_space<hbm>> -> memref<128x64xf32, #tpu.memory_space<hbm>>
      %dma_start3A_113 = arith.constant 0 : i32
      %dma_start3A_114 = tpu.memref_slice %arg4[%add3A_110, %dma_start3A_113] : memref<819200x64xf32, #tpu.memory_space<hbm>> -> memref<128x64xf32, #tpu.memory_space<hbm>>
      tpu.enqueue_dma source(%arg7 : memref<128x64xf32, #tpu.memory_space<vmem>>) target(%dma_start3A_114 : memref<128x64xf32, #tpu.memory_space<hbm>>) target_semaphore(%arg24 : memref<!tpu.dma_semaphore, #tpu.memory_space<semaphore_mem>>)
      %add3A_115 = arith.constant 3 : i32
      %add3A_116 = arith.addi %add3A_102, %add3A_115 : i32
      %lt3A_117 = arith.constant 200 : i32
      %lt3A_118 = arith.cmpi slt, %add3A_116, %lt3A_117 : i32
      %convert_element_type3A_119 = arith.extui %lt3A_118 : i1 to i32
      %cond3A_120 = arith.constant 0 : i32
      %cond3A_121 = arith.cmpi ne, %convert_element_type3A_119, %cond3A_120 : i32
      scf.if %cond3A_121 {
        %ge3A = arith.constant 5 : i32
        %ge3A_260 = arith.cmpi sge, %add3A_102, %ge3A : i32
        %convert_element_type3A_261 = arith.extui %ge3A_260 : i1 to i32
        %cond3A_262 = arith.constant 0 : i32
        %cond3A_263 = arith.cmpi ne, %convert_element_type3A_261, %cond3A_262 : i32
        scf.if %cond3A_263 {
          %dma_wait3A_272 = arith.constant 0 : i32
          %dma_wait3A_273 = arith.constant 0 : i32
          %dma_wait3A_274 = tpu.memref_slice %arg4[%dma_wait3A_272, %dma_wait3A_273] : memref<819200x64xf32, #tpu.memory_space<hbm>> -> memref<128x64xf32, #tpu.memory_space<hbm>>
          %dma_wait3A_275 = arith.constant 0 : i32
          %dma_wait3A_276 = arith.constant 0 : i32
          %dma_wait3A_277 = tpu.memref_slice %arg4[%dma_wait3A_275, %dma_wait3A_276] : memref<819200x64xf32, #tpu.memory_space<hbm>> -> memref<128x64xf32, #tpu.memory_space<hbm>>
          tpu.wait_dma2 semaphore(%arg27 : memref<!tpu.dma_semaphore, #tpu.memory_space<semaphore_mem>>) src(%arg10 : memref<128x64xf32, #tpu.memory_space<vmem>>) dst(%dma_wait3A_277 : memref<128x64xf32, #tpu.memory_space<hbm>>)
        } else {
        }
        %add3A_264 = arith.constant 3 : i32
        %add3A_265 = arith.addi %add3A_102, %add3A_264 : i32
        %mul3A_266 = arith.constant 128 : i32
        %mul3A_267 = arith.muli %add3A_265, %mul3A_266 : i32
        %dma_start3A_268 = tpu.memref_slice %arg5[%mul3A_267] : memref<25600xi32, #tpu.memory_space<vmem>> -> memref<128xi32, #tpu.memory_space<vmem>>
        %dma_start3A_269 = arith.constant 0 : i32
        %dma_start3A_270 = arith.constant 0 : i32
        %dma_start3A_271 = tpu.memref_slice %arg2[%dma_start3A_269, %dma_start3A_270] : memref<1000000x64xf32, #tpu.memory_space<hbm>> -> memref<1000000x64xf32, #tpu.memory_space<hbm>>
        tpu.enqueue_indirect_dma source(%dma_start3A_271 : memref<1000000x64xf32, #tpu.memory_space<hbm>>) target(%arg10 : memref<128x64xf32, #tpu.memory_space<vmem>>) offsets(%dma_start3A_268 : memref<128xi32, #tpu.memory_space<vmem>>) semaphore(%arg19 : memref<!tpu.dma_semaphore, #tpu.memory_space<semaphore_mem>>)
      } else {
      }
      %mul3A_122 = arith.constant 8 : i32
      %mul3A_123 = arith.muli %mul3A_122, %add3A_78 : i32
      %add3A_124 = arith.constant 2 : i32
      %add3A_125 = arith.addi %mul3A_123, %add3A_124 : i32
      %dma_wait3A_126 = arith.constant 0 : i32
      %dma_wait3A_127 = tpu.memref_slice %arg5[%dma_wait3A_126] : memref<25600xi32, #tpu.memory_space<vmem>> -> memref<128xi32, #tpu.memory_space<vmem>>
      %dma_wait3A_128 = arith.constant 0 : i32
      %dma_wait3A_129 = arith.constant 0 : i32
      %dma_wait3A_130 = tpu.memref_slice %arg2[%dma_wait3A_128, %dma_wait3A_129] : memref<1000000x64xf32, #tpu.memory_space<hbm>> -> memref<1000000x64xf32, #tpu.memory_space<hbm>>
      tpu.wait_indirect_dma semaphore(%arg17 : memref<!tpu.dma_semaphore, #tpu.memory_space<semaphore_mem>>) src(%dma_wait3A_130 : memref<1000000x64xf32, #tpu.memory_space<hbm>>) dst(%arg8 : memref<128x64xf32, #tpu.memory_space<vmem>>)
      %mul3A_131 = arith.constant 128 : i32
      %mul3A_132 = arith.muli %add3A_125, %mul3A_131 : i32
      %add3A_133 = arith.addi %mul3A_2, %mul3A_132 : i32
      %dma_start3A_134 = arith.constant 0 : i32
      %dma_start3A_135 = tpu.memref_slice %arg4[%add3A_133, %dma_start3A_134] : memref<819200x64xf32, #tpu.memory_space<hbm>> -> memref<128x64xf32, #tpu.memory_space<hbm>>
      %dma_start3A_136 = arith.constant 0 : i32
      %dma_start3A_137 = tpu.memref_slice %arg4[%add3A_133, %dma_start3A_136] : memref<819200x64xf32, #tpu.memory_space<hbm>> -> memref<128x64xf32, #tpu.memory_space<hbm>>
      tpu.enqueue_dma source(%arg8 : memref<128x64xf32, #tpu.memory_space<vmem>>) target(%dma_start3A_137 : memref<128x64xf32, #tpu.memory_space<hbm>>) target_semaphore(%arg25 : memref<!tpu.dma_semaphore, #tpu.memory_space<semaphore_mem>>)
      %add3A_138 = arith.constant 3 : i32
      %add3A_139 = arith.addi %add3A_125, %add3A_138 : i32
      %lt3A_140 = arith.constant 200 : i32
      %lt3A_141 = arith.cmpi slt, %add3A_139, %lt3A_140 : i32
      %convert_element_type3A_142 = arith.extui %lt3A_141 : i1 to i32
      %cond3A_143 = arith.constant 0 : i32
      %cond3A_144 = arith.cmpi ne, %convert_element_type3A_142, %cond3A_143 : i32
      scf.if %cond3A_144 {
        %ge3A = arith.constant 5 : i32
        %ge3A_260 = arith.cmpi sge, %add3A_125, %ge3A : i32
        %convert_element_type3A_261 = arith.extui %ge3A_260 : i1 to i32
        %cond3A_262 = arith.constant 0 : i32
        %cond3A_263 = arith.cmpi ne, %convert_element_type3A_261, %cond3A_262 : i32
        scf.if %cond3A_263 {
          %dma_wait3A_272 = arith.constant 0 : i32
          %dma_wait3A_273 = arith.constant 0 : i32
          %dma_wait3A_274 = tpu.memref_slice %arg4[%dma_wait3A_272, %dma_wait3A_273] : memref<819200x64xf32, #tpu.memory_space<hbm>> -> memref<128x64xf32, #tpu.memory_space<hbm>>
          %dma_wait3A_275 = arith.constant 0 : i32
          %dma_wait3A_276 = arith.constant 0 : i32
          %dma_wait3A_277 = tpu.memref_slice %arg4[%dma_wait3A_275, %dma_wait3A_276] : memref<819200x64xf32, #tpu.memory_space<hbm>> -> memref<128x64xf32, #tpu.memory_space<hbm>>
          tpu.wait_dma2 semaphore(%arg28 : memref<!tpu.dma_semaphore, #tpu.memory_space<semaphore_mem>>) src(%arg11 : memref<128x64xf32, #tpu.memory_space<vmem>>) dst(%dma_wait3A_277 : memref<128x64xf32, #tpu.memory_space<hbm>>)
        } else {
        }
        %add3A_264 = arith.constant 3 : i32
        %add3A_265 = arith.addi %add3A_125, %add3A_264 : i32
        %mul3A_266 = arith.constant 128 : i32
        %mul3A_267 = arith.muli %add3A_265, %mul3A_266 : i32
        %dma_start3A_268 = tpu.memref_slice %arg5[%mul3A_267] : memref<25600xi32, #tpu.memory_space<vmem>> -> memref<128xi32, #tpu.memory_space<vmem>>
        %dma_start3A_269 = arith.constant 0 : i32
        %dma_start3A_270 = arith.constant 0 : i32
        %dma_start3A_271 = tpu.memref_slice %arg2[%dma_start3A_269, %dma_start3A_270] : memref<1000000x64xf32, #tpu.memory_space<hbm>> -> memref<1000000x64xf32, #tpu.memory_space<hbm>>
        tpu.enqueue_indirect_dma source(%dma_start3A_271 : memref<1000000x64xf32, #tpu.memory_space<hbm>>) target(%arg11 : memref<128x64xf32, #tpu.memory_space<vmem>>) offsets(%dma_start3A_268 : memref<128xi32, #tpu.memory_space<vmem>>) semaphore(%arg20 : memref<!tpu.dma_semaphore, #tpu.memory_space<semaphore_mem>>)
      } else {
      }
      %mul3A_145 = arith.constant 8 : i32
      %mul3A_146 = arith.muli %mul3A_145, %add3A_78 : i32
      %add3A_147 = arith.constant 3 : i32
      %add3A_148 = arith.addi %mul3A_146, %add3A_147 : i32
      %dma_wait3A_149 = arith.constant 0 : i32
      %dma_wait3A_150 = tpu.memref_slice %arg5[%dma_wait3A_149] : memref<25600xi32, #tpu.memory_space<vmem>> -> memref<128xi32, #tpu.memory_space<vmem>>
      %dma_wait3A_151 = arith.constant 0 : i32
      %dma_wait3A_152 = arith.constant 0 : i32
      %dma_wait3A_153 = tpu.memref_slice %arg2[%dma_wait3A_151, %dma_wait3A_152] : memref<1000000x64xf32, #tpu.memory_space<hbm>> -> memref<1000000x64xf32, #tpu.memory_space<hbm>>
      tpu.wait_indirect_dma semaphore(%arg18 : memref<!tpu.dma_semaphore, #tpu.memory_space<semaphore_mem>>) src(%dma_wait3A_153 : memref<1000000x64xf32, #tpu.memory_space<hbm>>) dst(%arg9 : memref<128x64xf32, #tpu.memory_space<vmem>>)
      %mul3A_154 = arith.constant 128 : i32
      %mul3A_155 = arith.muli %add3A_148, %mul3A_154 : i32
      %add3A_156 = arith.addi %mul3A_2, %mul3A_155 : i32
      %dma_start3A_157 = arith.constant 0 : i32
      %dma_start3A_158 = tpu.memref_slice %arg4[%add3A_156, %dma_start3A_157] : memref<819200x64xf32, #tpu.memory_space<hbm>> -> memref<128x64xf32, #tpu.memory_space<hbm>>
      %dma_start3A_159 = arith.constant 0 : i32
      %dma_start3A_160 = tpu.memref_slice %arg4[%add3A_156, %dma_start3A_159] : memref<819200x64xf32, #tpu.memory_space<hbm>> -> memref<128x64xf32, #tpu.memory_space<hbm>>
      tpu.enqueue_dma source(%arg9 : memref<128x64xf32, #tpu.memory_space<vmem>>) target(%dma_start3A_160 : memref<128x64xf32, #tpu.memory_space<hbm>>) target_semaphore(%arg26 : memref<!tpu.dma_semaphore, #tpu.memory_space<semaphore_mem>>)
      %add3A_161 = arith.constant 3 : i32
      %add3A_162 = arith.addi %add3A_148, %add3A_161 : i32
      %lt3A_163 = arith.constant 200 : i32
      %lt3A_164 = arith.cmpi slt, %add3A_162, %lt3A_163 : i32
      %convert_element_type3A_165 = arith.extui %lt3A_164 : i1 to i32
      %cond3A_166 = arith.constant 0 : i32
      %cond3A_167 = arith.cmpi ne, %convert_element_type3A_165, %cond3A_166 : i32
      scf.if %cond3A_167 {
        %ge3A = arith.constant 5 : i32
        %ge3A_260 = arith.cmpi sge, %add3A_148, %ge3A : i32
        %convert_element_type3A_261 = arith.extui %ge3A_260 : i1 to i32
        %cond3A_262 = arith.constant 0 : i32
        %cond3A_263 = arith.cmpi ne, %convert_element_type3A_261, %cond3A_262 : i32
        scf.if %cond3A_263 {
          %dma_wait3A_272 = arith.constant 0 : i32
          %dma_wait3A_273 = arith.constant 0 : i32
          %dma_wait3A_274 = tpu.memref_slice %arg4[%dma_wait3A_272, %dma_wait3A_273] : memref<819200x64xf32, #tpu.memory_space<hbm>> -> memref<128x64xf32, #tpu.memory_space<hbm>>
          %dma_wait3A_275 = arith.constant 0 : i32
          %dma_wait3A_276 = arith.constant 0 : i32
          %dma_wait3A_277 = tpu.memref_slice %arg4[%dma_wait3A_275, %dma_wait3A_276] : memref<819200x64xf32, #tpu.memory_space<hbm>> -> memref<128x64xf32, #tpu.memory_space<hbm>>
          tpu.wait_dma2 semaphore(%arg29 : memref<!tpu.dma_semaphore, #tpu.memory_space<semaphore_mem>>) src(%arg12 : memref<128x64xf32, #tpu.memory_space<vmem>>) dst(%dma_wait3A_277 : memref<128x64xf32, #tpu.memory_space<hbm>>)
        } else {
        }
        %add3A_264 = arith.constant 3 : i32
        %add3A_265 = arith.addi %add3A_148, %add3A_264 : i32
        %mul3A_266 = arith.constant 128 : i32
        %mul3A_267 = arith.muli %add3A_265, %mul3A_266 : i32
        %dma_start3A_268 = tpu.memref_slice %arg5[%mul3A_267] : memref<25600xi32, #tpu.memory_space<vmem>> -> memref<128xi32, #tpu.memory_space<vmem>>
        %dma_start3A_269 = arith.constant 0 : i32
        %dma_start3A_270 = arith.constant 0 : i32
        %dma_start3A_271 = tpu.memref_slice %arg2[%dma_start3A_269, %dma_start3A_270] : memref<1000000x64xf32, #tpu.memory_space<hbm>> -> memref<1000000x64xf32, #tpu.memory_space<hbm>>
        tpu.enqueue_indirect_dma source(%dma_start3A_271 : memref<1000000x64xf32, #tpu.memory_space<hbm>>) target(%arg12 : memref<128x64xf32, #tpu.memory_space<vmem>>) offsets(%dma_start3A_268 : memref<128xi32, #tpu.memory_space<vmem>>) semaphore(%arg21 : memref<!tpu.dma_semaphore, #tpu.memory_space<semaphore_mem>>)
      } else {
      }
      %mul3A_168 = arith.constant 8 : i32
      %mul3A_169 = arith.muli %mul3A_168, %add3A_78 : i32
      %add3A_170 = arith.constant 4 : i32
      %add3A_171 = arith.addi %mul3A_169, %add3A_170 : i32
      %dma_wait3A_172 = arith.constant 0 : i32
      %dma_wait3A_173 = tpu.memref_slice %arg5[%dma_wait3A_172] : memref<25600xi32, #tpu.memory_space<vmem>> -> memref<128xi32, #tpu.memory_space<vmem>>
      %dma_wait3A_174 = arith.constant 0 : i32
      %dma_wait3A_175 = arith.constant 0 : i32
      %dma_wait3A_176 = tpu.memref_slice %arg2[%dma_wait3A_174, %dma_wait3A_175] : memref<1000000x64xf32, #tpu.memory_space<hbm>> -> memref<1000000x64xf32, #tpu.memory_space<hbm>>
      tpu.wait_indirect_dma semaphore(%arg19 : memref<!tpu.dma_semaphore, #tpu.memory_space<semaphore_mem>>) src(%dma_wait3A_176 : memref<1000000x64xf32, #tpu.memory_space<hbm>>) dst(%arg10 : memref<128x64xf32, #tpu.memory_space<vmem>>)
      %mul3A_177 = arith.constant 128 : i32
      %mul3A_178 = arith.muli %add3A_171, %mul3A_177 : i32
      %add3A_179 = arith.addi %mul3A_2, %mul3A_178 : i32
      %dma_start3A_180 = arith.constant 0 : i32
      %dma_start3A_181 = tpu.memref_slice %arg4[%add3A_179, %dma_start3A_180] : memref<819200x64xf32, #tpu.memory_space<hbm>> -> memref<128x64xf32, #tpu.memory_space<hbm>>
      %dma_start3A_182 = arith.constant 0 : i32
      %dma_start3A_183 = tpu.memref_slice %arg4[%add3A_179, %dma_start3A_182] : memref<819200x64xf32, #tpu.memory_space<hbm>> -> memref<128x64xf32, #tpu.memory_space<hbm>>
      tpu.enqueue_dma source(%arg10 : memref<128x64xf32, #tpu.memory_space<vmem>>) target(%dma_start3A_183 : memref<128x64xf32, #tpu.memory_space<hbm>>) target_semaphore(%arg27 : memref<!tpu.dma_semaphore, #tpu.memory_space<semaphore_mem>>)
      %add3A_184 = arith.constant 3 : i32
      %add3A_185 = arith.addi %add3A_171, %add3A_184 : i32
      %lt3A_186 = arith.constant 200 : i32
      %lt3A_187 = arith.cmpi slt, %add3A_185, %lt3A_186 : i32
      %convert_element_type3A_188 = arith.extui %lt3A_187 : i1 to i32
      %cond3A_189 = arith.constant 0 : i32
      %cond3A_190 = arith.cmpi ne, %convert_element_type3A_188, %cond3A_189 : i32
      scf.if %cond3A_190 {
        %ge3A = arith.constant 5 : i32
        %ge3A_260 = arith.cmpi sge, %add3A_171, %ge3A : i32
        %convert_element_type3A_261 = arith.extui %ge3A_260 : i1 to i32
        %cond3A_262 = arith.constant 0 : i32
        %cond3A_263 = arith.cmpi ne, %convert_element_type3A_261, %cond3A_262 : i32
        scf.if %cond3A_263 {
          %dma_wait3A_272 = arith.constant 0 : i32
          %dma_wait3A_273 = arith.constant 0 : i32
          %dma_wait3A_274 = tpu.memref_slice %arg4[%dma_wait3A_272, %dma_wait3A_273] : memref<819200x64xf32, #tpu.memory_space<hbm>> -> memref<128x64xf32, #tpu.memory_space<hbm>>
          %dma_wait3A_275 = arith.constant 0 : i32
          %dma_wait3A_276 = arith.constant 0 : i32
          %dma_wait3A_277 = tpu.memref_slice %arg4[%dma_wait3A_275, %dma_wait3A_276] : memref<819200x64xf32, #tpu.memory_space<hbm>> -> memref<128x64xf32, #tpu.memory_space<hbm>>
          tpu.wait_dma2 semaphore(%arg30 : memref<!tpu.dma_semaphore, #tpu.memory_space<semaphore_mem>>) src(%arg13 : memref<128x64xf32, #tpu.memory_space<vmem>>) dst(%dma_wait3A_277 : memref<128x64xf32, #tpu.memory_space<hbm>>)
        } else {
        }
        %add3A_264 = arith.constant 3 : i32
        %add3A_265 = arith.addi %add3A_171, %add3A_264 : i32
        %mul3A_266 = arith.constant 128 : i32
        %mul3A_267 = arith.muli %add3A_265, %mul3A_266 : i32
        %dma_start3A_268 = tpu.memref_slice %arg5[%mul3A_267] : memref<25600xi32, #tpu.memory_space<vmem>> -> memref<128xi32, #tpu.memory_space<vmem>>
        %dma_start3A_269 = arith.constant 0 : i32
        %dma_start3A_270 = arith.constant 0 : i32
        %dma_start3A_271 = tpu.memref_slice %arg2[%dma_start3A_269, %dma_start3A_270] : memref<1000000x64xf32, #tpu.memory_space<hbm>> -> memref<1000000x64xf32, #tpu.memory_space<hbm>>
        tpu.enqueue_indirect_dma source(%dma_start3A_271 : memref<1000000x64xf32, #tpu.memory_space<hbm>>) target(%arg13 : memref<128x64xf32, #tpu.memory_space<vmem>>) offsets(%dma_start3A_268 : memref<128xi32, #tpu.memory_space<vmem>>) semaphore(%arg22 : memref<!tpu.dma_semaphore, #tpu.memory_space<semaphore_mem>>)
      } else {
      }
      %mul3A_191 = arith.constant 8 : i32
      %mul3A_192 = arith.muli %mul3A_191, %add3A_78 : i32
      %add3A_193 = arith.constant 5 : i32
      %add3A_194 = arith.addi %mul3A_192, %add3A_193 : i32
      %dma_wait3A_195 = arith.constant 0 : i32
      %dma_wait3A_196 = tpu.memref_slice %arg5[%dma_wait3A_195] : memref<25600xi32, #tpu.memory_space<vmem>> -> memref<128xi32, #tpu.memory_space<vmem>>
      %dma_wait3A_197 = arith.constant 0 : i32
      %dma_wait3A_198 = arith.constant 0 : i32
      %dma_wait3A_199 = tpu.memref_slice %arg2[%dma_wait3A_197, %dma_wait3A_198] : memref<1000000x64xf32, #tpu.memory_space<hbm>> -> memref<1000000x64xf32, #tpu.memory_space<hbm>>
      tpu.wait_indirect_dma semaphore(%arg20 : memref<!tpu.dma_semaphore, #tpu.memory_space<semaphore_mem>>) src(%dma_wait3A_199 : memref<1000000x64xf32, #tpu.memory_space<hbm>>) dst(%arg11 : memref<128x64xf32, #tpu.memory_space<vmem>>)
      %mul3A_200 = arith.constant 128 : i32
      %mul3A_201 = arith.muli %add3A_194, %mul3A_200 : i32
      %add3A_202 = arith.addi %mul3A_2, %mul3A_201 : i32
      %dma_start3A_203 = arith.constant 0 : i32
      %dma_start3A_204 = tpu.memref_slice %arg4[%add3A_202, %dma_start3A_203] : memref<819200x64xf32, #tpu.memory_space<hbm>> -> memref<128x64xf32, #tpu.memory_space<hbm>>
      %dma_start3A_205 = arith.constant 0 : i32
      %dma_start3A_206 = tpu.memref_slice %arg4[%add3A_202, %dma_start3A_205] : memref<819200x64xf32, #tpu.memory_space<hbm>> -> memref<128x64xf32, #tpu.memory_space<hbm>>
      tpu.enqueue_dma source(%arg11 : memref<128x64xf32, #tpu.memory_space<vmem>>) target(%dma_start3A_206 : memref<128x64xf32, #tpu.memory_space<hbm>>) target_semaphore(%arg28 : memref<!tpu.dma_semaphore, #tpu.memory_space<semaphore_mem>>)
      %add3A_207 = arith.constant 3 : i32
      %add3A_208 = arith.addi %add3A_194, %add3A_207 : i32
      %lt3A_209 = arith.constant 200 : i32
      %lt3A_210 = arith.cmpi slt, %add3A_208, %lt3A_209 : i32
      %convert_element_type3A_211 = arith.extui %lt3A_210 : i1 to i32
      %cond3A_212 = arith.constant 0 : i32
      %cond3A_213 = arith.cmpi ne, %convert_element_type3A_211, %cond3A_212 : i32
      scf.if %cond3A_213 {
        %ge3A = arith.constant 5 : i32
        %ge3A_260 = arith.cmpi sge, %add3A_194, %ge3A : i32
        %convert_element_type3A_261 = arith.extui %ge3A_260 : i1 to i32
        %cond3A_262 = arith.constant 0 : i32
        %cond3A_263 = arith.cmpi ne, %convert_element_type3A_261, %cond3A_262 : i32
        scf.if %cond3A_263 {
          %dma_wait3A_272 = arith.constant 0 : i32
          %dma_wait3A_273 = arith.constant 0 : i32
          %dma_wait3A_274 = tpu.memref_slice %arg4[%dma_wait3A_272, %dma_wait3A_273] : memref<819200x64xf32, #tpu.memory_space<hbm>> -> memref<128x64xf32, #tpu.memory_space<hbm>>
          %dma_wait3A_275 = arith.constant 0 : i32
          %dma_wait3A_276 = arith.constant 0 : i32
          %dma_wait3A_277 = tpu.memref_slice %arg4[%dma_wait3A_275, %dma_wait3A_276] : memref<819200x64xf32, #tpu.memory_space<hbm>> -> memref<128x64xf32, #tpu.memory_space<hbm>>
          tpu.wait_dma2 semaphore(%arg23 : memref<!tpu.dma_semaphore, #tpu.memory_space<semaphore_mem>>) src(%arg6 : memref<128x64xf32, #tpu.memory_space<vmem>>) dst(%dma_wait3A_277 : memref<128x64xf32, #tpu.memory_space<hbm>>)
        } else {
        }
        %add3A_264 = arith.constant 3 : i32
        %add3A_265 = arith.addi %add3A_194, %add3A_264 : i32
        %mul3A_266 = arith.constant 128 : i32
        %mul3A_267 = arith.muli %add3A_265, %mul3A_266 : i32
        %dma_start3A_268 = tpu.memref_slice %arg5[%mul3A_267] : memref<25600xi32, #tpu.memory_space<vmem>> -> memref<128xi32, #tpu.memory_space<vmem>>
        %dma_start3A_269 = arith.constant 0 : i32
        %dma_start3A_270 = arith.constant 0 : i32
        %dma_start3A_271 = tpu.memref_slice %arg2[%dma_start3A_269, %dma_start3A_270] : memref<1000000x64xf32, #tpu.memory_space<hbm>> -> memref<1000000x64xf32, #tpu.memory_space<hbm>>
        tpu.enqueue_indirect_dma source(%dma_start3A_271 : memref<1000000x64xf32, #tpu.memory_space<hbm>>) target(%arg6 : memref<128x64xf32, #tpu.memory_space<vmem>>) offsets(%dma_start3A_268 : memref<128xi32, #tpu.memory_space<vmem>>) semaphore(%arg15 : memref<!tpu.dma_semaphore, #tpu.memory_space<semaphore_mem>>)
      } else {
      }
      %mul3A_214 = arith.constant 8 : i32
      %mul3A_215 = arith.muli %mul3A_214, %add3A_78 : i32
      %add3A_216 = arith.constant 6 : i32
      %add3A_217 = arith.addi %mul3A_215, %add3A_216 : i32
      %dma_wait3A_218 = arith.constant 0 : i32
      %dma_wait3A_219 = tpu.memref_slice %arg5[%dma_wait3A_218] : memref<25600xi32, #tpu.memory_space<vmem>> -> memref<128xi32, #tpu.memory_space<vmem>>
      %dma_wait3A_220 = arith.constant 0 : i32
      %dma_wait3A_221 = arith.constant 0 : i32
      %dma_wait3A_222 = tpu.memref_slice %arg2[%dma_wait3A_220, %dma_wait3A_221] : memref<1000000x64xf32, #tpu.memory_space<hbm>> -> memref<1000000x64xf32, #tpu.memory_space<hbm>>
      tpu.wait_indirect_dma semaphore(%arg21 : memref<!tpu.dma_semaphore, #tpu.memory_space<semaphore_mem>>) src(%dma_wait3A_222 : memref<1000000x64xf32, #tpu.memory_space<hbm>>) dst(%arg12 : memref<128x64xf32, #tpu.memory_space<vmem>>)
      %mul3A_223 = arith.constant 128 : i32
      %mul3A_224 = arith.muli %add3A_217, %mul3A_223 : i32
      %add3A_225 = arith.addi %mul3A_2, %mul3A_224 : i32
      %dma_start3A_226 = arith.constant 0 : i32
      %dma_start3A_227 = tpu.memref_slice %arg4[%add3A_225, %dma_start3A_226] : memref<819200x64xf32, #tpu.memory_space<hbm>> -> memref<128x64xf32, #tpu.memory_space<hbm>>
      %dma_start3A_228 = arith.constant 0 : i32
      %dma_start3A_229 = tpu.memref_slice %arg4[%add3A_225, %dma_start3A_228] : memref<819200x64xf32, #tpu.memory_space<hbm>> -> memref<128x64xf32, #tpu.memory_space<hbm>>
      tpu.enqueue_dma source(%arg12 : memref<128x64xf32, #tpu.memory_space<vmem>>) target(%dma_start3A_229 : memref<128x64xf32, #tpu.memory_space<hbm>>) target_semaphore(%arg29 : memref<!tpu.dma_semaphore, #tpu.memory_space<semaphore_mem>>)
      %add3A_230 = arith.constant 3 : i32
      %add3A_231 = arith.addi %add3A_217, %add3A_230 : i32
      %lt3A_232 = arith.constant 200 : i32
      %lt3A_233 = arith.cmpi slt, %add3A_231, %lt3A_232 : i32
      %convert_element_type3A_234 = arith.extui %lt3A_233 : i1 to i32
      %cond3A_235 = arith.constant 0 : i32
      %cond3A_236 = arith.cmpi ne, %convert_element_type3A_234, %cond3A_235 : i32
      scf.if %cond3A_236 {
        %ge3A = arith.constant 5 : i32
        %ge3A_260 = arith.cmpi sge, %add3A_217, %ge3A : i32
        %convert_element_type3A_261 = arith.extui %ge3A_260 : i1 to i32
        %cond3A_262 = arith.constant 0 : i32
        %cond3A_263 = arith.cmpi ne, %convert_element_type3A_261, %cond3A_262 : i32
        scf.if %cond3A_263 {
          %dma_wait3A_272 = arith.constant 0 : i32
          %dma_wait3A_273 = arith.constant 0 : i32
          %dma_wait3A_274 = tpu.memref_slice %arg4[%dma_wait3A_272, %dma_wait3A_273] : memref<819200x64xf32, #tpu.memory_space<hbm>> -> memref<128x64xf32, #tpu.memory_space<hbm>>
          %dma_wait3A_275 = arith.constant 0 : i32
          %dma_wait3A_276 = arith.constant 0 : i32
          %dma_wait3A_277 = tpu.memref_slice %arg4[%dma_wait3A_275, %dma_wait3A_276] : memref<819200x64xf32, #tpu.memory_space<hbm>> -> memref<128x64xf32, #tpu.memory_space<hbm>>
          tpu.wait_dma2 semaphore(%arg24 : memref<!tpu.dma_semaphore, #tpu.memory_space<semaphore_mem>>) src(%arg7 : memref<128x64xf32, #tpu.memory_space<vmem>>) dst(%dma_wait3A_277 : memref<128x64xf32, #tpu.memory_space<hbm>>)
        } else {
        }
        %add3A_264 = arith.constant 3 : i32
        %add3A_265 = arith.addi %add3A_217, %add3A_264 : i32
        %mul3A_266 = arith.constant 128 : i32
        %mul3A_267 = arith.muli %add3A_265, %mul3A_266 : i32
        %dma_start3A_268 = tpu.memref_slice %arg5[%mul3A_267] : memref<25600xi32, #tpu.memory_space<vmem>> -> memref<128xi32, #tpu.memory_space<vmem>>
        %dma_start3A_269 = arith.constant 0 : i32
        %dma_start3A_270 = arith.constant 0 : i32
        %dma_start3A_271 = tpu.memref_slice %arg2[%dma_start3A_269, %dma_start3A_270] : memref<1000000x64xf32, #tpu.memory_space<hbm>> -> memref<1000000x64xf32, #tpu.memory_space<hbm>>
        tpu.enqueue_indirect_dma source(%dma_start3A_271 : memref<1000000x64xf32, #tpu.memory_space<hbm>>) target(%arg7 : memref<128x64xf32, #tpu.memory_space<vmem>>) offsets(%dma_start3A_268 : memref<128xi32, #tpu.memory_space<vmem>>) semaphore(%arg16 : memref<!tpu.dma_semaphore, #tpu.memory_space<semaphore_mem>>)
      } else {
      }
      %mul3A_237 = arith.constant 8 : i32
      %mul3A_238 = arith.muli %mul3A_237, %add3A_78 : i32
      %add3A_239 = arith.constant 7 : i32
      %add3A_240 = arith.addi %mul3A_238, %add3A_239 : i32
      %dma_wait3A_241 = arith.constant 0 : i32
      %dma_wait3A_242 = tpu.memref_slice %arg5[%dma_wait3A_241] : memref<25600xi32, #tpu.memory_space<vmem>> -> memref<128xi32, #tpu.memory_space<vmem>>
      %dma_wait3A_243 = arith.constant 0 : i32
      %dma_wait3A_244 = arith.constant 0 : i32
      %dma_wait3A_245 = tpu.memref_slice %arg2[%dma_wait3A_243, %dma_wait3A_244] : memref<1000000x64xf32, #tpu.memory_space<hbm>> -> memref<1000000x64xf32, #tpu.memory_space<hbm>>
      tpu.wait_indirect_dma semaphore(%arg22 : memref<!tpu.dma_semaphore, #tpu.memory_space<semaphore_mem>>) src(%dma_wait3A_245 : memref<1000000x64xf32, #tpu.memory_space<hbm>>) dst(%arg13 : memref<128x64xf32, #tpu.memory_space<vmem>>)
      %mul3A_246 = arith.constant 128 : i32
      %mul3A_247 = arith.muli %add3A_240, %mul3A_246 : i32
      %add3A_248 = arith.addi %mul3A_2, %mul3A_247 : i32
      %dma_start3A_249 = arith.constant 0 : i32
      %dma_start3A_250 = tpu.memref_slice %arg4[%add3A_248, %dma_start3A_249] : memref<819200x64xf32, #tpu.memory_space<hbm>> -> memref<128x64xf32, #tpu.memory_space<hbm>>
      %dma_start3A_251 = arith.constant 0 : i32
      %dma_start3A_252 = tpu.memref_slice %arg4[%add3A_248, %dma_start3A_251] : memref<819200x64xf32, #tpu.memory_space<hbm>> -> memref<128x64xf32, #tpu.memory_space<hbm>>
      tpu.enqueue_dma source(%arg13 : memref<128x64xf32, #tpu.memory_space<vmem>>) target(%dma_start3A_252 : memref<128x64xf32, #tpu.memory_space<hbm>>) target_semaphore(%arg30 : memref<!tpu.dma_semaphore, #tpu.memory_space<semaphore_mem>>)
      %add3A_253 = arith.constant 3 : i32
      %add3A_254 = arith.addi %add3A_240, %add3A_253 : i32
      %lt3A_255 = arith.constant 200 : i32
      %lt3A_256 = arith.cmpi slt, %add3A_254, %lt3A_255 : i32
      %convert_element_type3A_257 = arith.extui %lt3A_256 : i1 to i32
      %cond3A_258 = arith.constant 0 : i32
      %cond3A_259 = arith.cmpi ne, %convert_element_type3A_257, %cond3A_258 : i32
      scf.if %cond3A_259 {
        %ge3A = arith.constant 5 : i32
        %ge3A_260 = arith.cmpi sge, %add3A_240, %ge3A : i32
        %convert_element_type3A_261 = arith.extui %ge3A_260 : i1 to i32
        %cond3A_262 = arith.constant 0 : i32
        %cond3A_263 = arith.cmpi ne, %convert_element_type3A_261, %cond3A_262 : i32
        scf.if %cond3A_263 {
          %dma_wait3A_272 = arith.constant 0 : i32
          %dma_wait3A_273 = arith.constant 0 : i32
          %dma_wait3A_274 = tpu.memref_slice %arg4[%dma_wait3A_272, %dma_wait3A_273] : memref<819200x64xf32, #tpu.memory_space<hbm>> -> memref<128x64xf32, #tpu.memory_space<hbm>>
          %dma_wait3A_275 = arith.constant 0 : i32
          %dma_wait3A_276 = arith.constant 0 : i32
          %dma_wait3A_277 = tpu.memref_slice %arg4[%dma_wait3A_275, %dma_wait3A_276] : memref<819200x64xf32, #tpu.memory_space<hbm>> -> memref<128x64xf32, #tpu.memory_space<hbm>>
          tpu.wait_dma2 semaphore(%arg25 : memref<!tpu.dma_semaphore, #tpu.memory_space<semaphore_mem>>) src(%arg8 : memref<128x64xf32, #tpu.memory_space<vmem>>) dst(%dma_wait3A_277 : memref<128x64xf32, #tpu.memory_space<hbm>>)
        } else {
        }
        %add3A_264 = arith.constant 3 : i32
        %add3A_265 = arith.addi %add3A_240, %add3A_264 : i32
        %mul3A_266 = arith.constant 128 : i32
        %mul3A_267 = arith.muli %add3A_265, %mul3A_266 : i32
        %dma_start3A_268 = tpu.memref_slice %arg5[%mul3A_267] : memref<25600xi32, #tpu.memory_space<vmem>> -> memref<128xi32, #tpu.memory_space<vmem>>
        %dma_start3A_269 = arith.constant 0 : i32
        %dma_start3A_270 = arith.constant 0 : i32
        %dma_start3A_271 = tpu.memref_slice %arg2[%dma_start3A_269, %dma_start3A_270] : memref<1000000x64xf32, #tpu.memory_space<hbm>> -> memref<1000000x64xf32, #tpu.memory_space<hbm>>
        tpu.enqueue_indirect_dma source(%dma_start3A_271 : memref<1000000x64xf32, #tpu.memory_space<hbm>>) target(%arg8 : memref<128x64xf32, #tpu.memory_space<vmem>>) offsets(%dma_start3A_268 : memref<128xi32, #tpu.memory_space<vmem>>) semaphore(%arg17 : memref<!tpu.dma_semaphore, #tpu.memory_space<semaphore_mem>>)
      } else {
      }
    }
    %scan3A_25 = arith.constant 25 : i32
    %dma_wait3A_26 = arith.constant 0 : i32
    %dma_wait3A_27 = arith.constant 0 : i32
    %dma_wait3A_28 = tpu.memref_slice %arg4[%dma_wait3A_26, %dma_wait3A_27] : memref<819200x64xf32, #tpu.memory_space<hbm>> -> memref<128x64xf32, #tpu.memory_space<hbm>>
    %dma_wait3A_29 = arith.constant 0 : i32
    %dma_wait3A_30 = arith.constant 0 : i32
    %dma_wait3A_31 = tpu.memref_slice %arg4[%dma_wait3A_29, %dma_wait3A_30] : memref<819200x64xf32, #tpu.memory_space<hbm>> -> memref<128x64xf32, #tpu.memory_space<hbm>>
    tpu.wait_dma2 semaphore(%arg23 : memref<!tpu.dma_semaphore, #tpu.memory_space<semaphore_mem>>) src(%arg6 : memref<128x64xf32, #tpu.memory_space<vmem>>) dst(%dma_wait3A_31 : memref<128x64xf32, #tpu.memory_space<hbm>>)
    %dma_wait3A_32 = arith.constant 0 : i32
    %dma_wait3A_33 = arith.constant 0 : i32
    %dma_wait3A_34 = tpu.memref_slice %arg4[%dma_wait3A_32, %dma_wait3A_33] : memref<819200x64xf32, #tpu.memory_space<hbm>> -> memref<128x64xf32, #tpu.memory_space<hbm>>
    %dma_wait3A_35 = arith.constant 0 : i32
    %dma_wait3A_36 = arith.constant 0 : i32
    %dma_wait3A_37 = tpu.memref_slice %arg4[%dma_wait3A_35, %dma_wait3A_36] : memref<819200x64xf32, #tpu.memory_space<hbm>> -> memref<128x64xf32, #tpu.memory_space<hbm>>
    tpu.wait_dma2 semaphore(%arg24 : memref<!tpu.dma_semaphore, #tpu.memory_space<semaphore_mem>>) src(%arg7 : memref<128x64xf32, #tpu.memory_space<vmem>>) dst(%dma_wait3A_37 : memref<128x64xf32, #tpu.memory_space<hbm>>)
    %dma_wait3A_38 = arith.constant 0 : i32
    %dma_wait3A_39 = arith.constant 0 : i32
    %dma_wait3A_40 = tpu.memref_slice %arg4[%dma_wait3A_38, %dma_wait3A_39] : memref<819200x64xf32, #tpu.memory_space<hbm>> -> memref<128x64xf32, #tpu.memory_space<hbm>>
    %dma_wait3A_41 = arith.constant 0 : i32
    %dma_wait3A_42 = arith.constant 0 : i32
    %dma_wait3A_43 = tpu.memref_slice %arg4[%dma_wait3A_41, %dma_wait3A_42] : memref<819200x64xf32, #tpu.memory_space<hbm>> -> memref<128x64xf32, #tpu.memory_space<hbm>>
    tpu.wait_dma2 semaphore(%arg25 : memref<!tpu.dma_semaphore, #tpu.memory_space<semaphore_mem>>) src(%arg8 : memref<128x64xf32, #tpu.memory_space<vmem>>) dst(%dma_wait3A_43 : memref<128x64xf32, #tpu.memory_space<hbm>>)
    %dma_wait3A_44 = arith.constant 0 : i32
    %dma_wait3A_45 = arith.constant 0 : i32
    %dma_wait3A_46 = tpu.memref_slice %arg4[%dma_wait3A_44, %dma_wait3A_45] : memref<819200x64xf32, #tpu.memory_space<hbm>> -> memref<128x64xf32, #tpu.memory_space<hbm>>
    %dma_wait3A_47 = arith.constant 0 : i32
    %dma_wait3A_48 = arith.constant 0 : i32
    %dma_wait3A_49 = tpu.memref_slice %arg4[%dma_wait3A_47, %dma_wait3A_48] : memref<819200x64xf32, #tpu.memory_space<hbm>> -> memref<128x64xf32, #tpu.memory_space<hbm>>
    tpu.wait_dma2 semaphore(%arg26 : memref<!tpu.dma_semaphore, #tpu.memory_space<semaphore_mem>>) src(%arg9 : memref<128x64xf32, #tpu.memory_space<vmem>>) dst(%dma_wait3A_49 : memref<128x64xf32, #tpu.memory_space<hbm>>)
    %dma_wait3A_50 = arith.constant 0 : i32
    %dma_wait3A_51 = arith.constant 0 : i32
    %dma_wait3A_52 = tpu.memref_slice %arg4[%dma_wait3A_50, %dma_wait3A_51] : memref<819200x64xf32, #tpu.memory_space<hbm>> -> memref<128x64xf32, #tpu.memory_space<hbm>>
    %dma_wait3A_53 = arith.constant 0 : i32
    %dma_wait3A_54 = arith.constant 0 : i32
    %dma_wait3A_55 = tpu.memref_slice %arg4[%dma_wait3A_53, %dma_wait3A_54] : memref<819200x64xf32, #tpu.memory_space<hbm>> -> memref<128x64xf32, #tpu.memory_space<hbm>>
    tpu.wait_dma2 semaphore(%arg27 : memref<!tpu.dma_semaphore, #tpu.memory_space<semaphore_mem>>) src(%arg10 : memref<128x64xf32, #tpu.memory_space<vmem>>) dst(%dma_wait3A_55 : memref<128x64xf32, #tpu.memory_space<hbm>>)
    %dma_wait3A_56 = arith.constant 0 : i32
    %dma_wait3A_57 = arith.constant 0 : i32
    %dma_wait3A_58 = tpu.memref_slice %arg4[%dma_wait3A_56, %dma_wait3A_57] : memref<819200x64xf32, #tpu.memory_space<hbm>> -> memref<128x64xf32, #tpu.memory_space<hbm>>
    %dma_wait3A_59 = arith.constant 0 : i32
    %dma_wait3A_60 = arith.constant 0 : i32
    %dma_wait3A_61 = tpu.memref_slice %arg4[%dma_wait3A_59, %dma_wait3A_60] : memref<819200x64xf32, #tpu.memory_space<hbm>> -> memref<128x64xf32, #tpu.memory_space<hbm>>
    tpu.wait_dma2 semaphore(%arg28 : memref<!tpu.dma_semaphore, #tpu.memory_space<semaphore_mem>>) src(%arg11 : memref<128x64xf32, #tpu.memory_space<vmem>>) dst(%dma_wait3A_61 : memref<128x64xf32, #tpu.memory_space<hbm>>)
    %dma_wait3A_62 = arith.constant 0 : i32
    %dma_wait3A_63 = arith.constant 0 : i32
    %dma_wait3A_64 = tpu.memref_slice %arg4[%dma_wait3A_62, %dma_wait3A_63] : memref<819200x64xf32, #tpu.memory_space<hbm>> -> memref<128x64xf32, #tpu.memory_space<hbm>>
    %dma_wait3A_65 = arith.constant 0 : i32
    %dma_wait3A_66 = arith.constant 0 : i32
    %dma_wait3A_67 = tpu.memref_slice %arg4[%dma_wait3A_65, %dma_wait3A_66] : memref<819200x64xf32, #tpu.memory_space<hbm>> -> memref<128x64xf32, #tpu.memory_space<hbm>>
    tpu.wait_dma2 semaphore(%arg29 : memref<!tpu.dma_semaphore, #tpu.memory_space<semaphore_mem>>) src(%arg12 : memref<128x64xf32, #tpu.memory_space<vmem>>) dst(%dma_wait3A_67 : memref<128x64xf32, #tpu.memory_space<hbm>>)
    %dma_wait3A_68 = arith.constant 0 : i32
    %dma_wait3A_69 = arith.constant 0 : i32
    %dma_wait3A_70 = tpu.memref_slice %arg4[%dma_wait3A_68, %dma_wait3A_69] : memref<819200x64xf32, #tpu.memory_space<hbm>> -> memref<128x64xf32, #tpu.memory_space<hbm>>
    %dma_wait3A_71 = arith.constant 0 : i32
    %dma_wait3A_72 = arith.constant 0 : i32
    %dma_wait3A_73 = tpu.memref_slice %arg4[%dma_wait3A_71, %dma_wait3A_72] : memref<819200x64xf32, #tpu.memory_space<hbm>> -> memref<128x64xf32, #tpu.memory_space<hbm>>
    tpu.wait_dma2 semaphore(%arg30 : memref<!tpu.dma_semaphore, #tpu.memory_space<semaphore_mem>>) src(%arg13 : memref<128x64xf32, #tpu.memory_space<vmem>>) dst(%dma_wait3A_73 : memref<128x64xf32, #tpu.memory_space<hbm>>)
    return
  }
}

</mosaic_0001>

<sc_bundles>
// kernel: run.3.cloned.1.call-start
scs
__scs_entry_jumppad:
0x0: {  	(pc) =	sbr.rel $0x88, $3  }
0x1: {  	(tag) =	ssettag $0x0;
	lr =	simm.s32 $0x1  }
0x2: {  	[smem:$0x3F9F] =	sst lr;
	_ =	strace $0xD0000000  }
0x3: {  	_ = 	snop  }
0x4: {  	_ = 	snop  }
0x5: {  	_ = 	snop  }
0x6: {  	_ = 	snop  }
0x7: {  	_ = 	snop  }
__scs_overlays_trampoline_lowered:
0x8: {  	[smem:$0x3FAE] =	sst s0  }
0x9: {  	[smem:$0x3FAF] =	sst s1  }
0xa: {  	[smem:$0x3FB0] =	sst s2  }
0xb: {  	[smem:$0x3FB1] =	sst s3  }
0xc: {  	[smem:$0x3FB2] =	sst s4  }
0xd: {  	[smem:$0x3FB3] =	sst s5  }
0xe: {  	[smem:$0x3FB4] =	sst s6  }
0xf: {  	[smem:$0x3FB5] =	sst s7  }
0x10: {  	[smem:$0x3FB6] =	sst s8  }
0x11: {  	[smem:$0x3FB7] =	sst s9;
	s0 =	simm.s32 @!p0 $0x0  }
0x12: {  	s1 =	sld [smem:$0x3F9D];
	s0 =	simm.s32 @p0 $0x1  }
0x13: {  	[smem:$0x3FB8] =	sst s0;
	s0 =	simm.s32 @!p1 $0x0  }
0x14: {  	s2 =	sld [smem:$0x3F9C];
	s0 =	simm.s32 @p1 $0x1  }
0x15: {  	[smem:$0x3FB9] =	sst s0;
	s0 =	simm.s32 @!p2 $0x0  }
0x16: {  	s3 =	sld [smem:$0x3FDB];
	s0 =	simm.s32 @p2 $0x1  }
0x17: {  	s4 =	simm.s32 $0x1BF5;
	[smem:$0x3FBB] =	sst s0  }
0x18: {  	s0 =	sld [smem:$0x3F9E];
	_ =	swait.ge [sflag:s4], $0x0  }
0x19: {  	s7 =	sld [smem:$0x3F9F]  }
0x1a: {  	s8 =	sadd.s32 $0xFFFFE003, lr  }
0x1b: {  	s9 =	sadd.s32 $0xFFFFFEF7, lr;
	s5 =	simm.s32 $0xFFFFFFFF;
	p2 =	slt.u32 s8, $0xFFFFF086  }
0x1c: {  	p1 =	slt.u32 s9, $0xF7A;
	s5 =	simm.s32 @!p2 $0x0  }
0x1d: {  	s5 =	simm.s32 @p1 $0x1;
	p0 =	seq.s32 s7, s2  }
0x1e: {  	s7 =	smul.u32 @!p0 $0xF7A, s2;
	p2 =	seq.s32 @!p0 s5, $0x0  }
0x1f: {  	s9 =	smul.u32 $0xF7A, s1;
	s8 =	simm.s32 @!p0 $0x1BF5;
	p2 =	por !p2, p0  }
0x20: {  	[sflag:s8] =	ssyncset.s32 @!p0 $0xFFFFF086;
	s6 =	sadd.s32 @!p0 s3, s7;
	s7 =	simm.s32 @!p0 $0x108  }
0x21: {  	s3 =	sadd.s32 s3, s9;
	s6 =	sadd.s32 @!p0 $0x88, s6;
	s7 =	simm.s32 @p2 $0x1082  }
0x22: {  	[simem:s7], [sflag:s8] =	dma.local @!p0 [hbm:s6], $0xF7A  }
0x23: {  	s9 =	sor.u32 $0xD0000000, s2;
	s6 =	simm.s32 $0x108;
	_ =	swait.ge @!p0 [sflag:s8], $0x0  }
0x24: {  	s3 =	sadd.s32 $0x88, s3;
	s6 =	simm.s32 @!p1 $0x1082;
	[sflag:s4] =	ssyncset.s32 $0xFFFFF086  }
0x25: {  	[simem:s6], [sflag:s4] =	dma.local [hbm:s3], $0xF7A  }
0x26: {  	[smem:$0x3F9F] =	sst s1;
	(tag) =	ssettag s2;
	_ =	strace s9  }
0x27: {  	s1 =	sld [smem:$0x3FAF]  }
0x28: {  	s2 =	sld [smem:$0x3FB0]  }
0x29: {  	s4 =	sld [smem:$0x3FB2]  }
0x2a: {  	p0 =	seq.s32 s5, $0x0;
	s5 =	sld [smem:$0x3FB3]  }
0x2b: {  	s6 =	sld [smem:$0x3FB4]  }
0x2c: {  	s7 =	sld [smem:$0x3FB5]  }
0x2d: {  	s3 =	simm.s32 $0x108;
	s8 =	sld [smem:$0x3FB6]  }
0x2e: {  	s3 =	simm.s32 @!p0 $0x1082;
	s9 =	sld [smem:$0x3FB7]  }
0x2f: {  	lr =	sadd.s32 s0, s3;
	s0 =	sld [smem:$0x3FAE]  }
0x30: {  	s3 =	sld [smem:$0x3FB1]  }
0x31: {  	[smem:$0x3FBA] =	sst s10  }
0x32: {  	s10 =	sld [smem:$0x3FB8];
	_ =	sdelay $0x3  }
0x33: {  	p0 =	seq.s32 s10, $0x1;
	s10 =	sld [smem:$0x3FBA];
	_ =	sdelay $0x3  }
0x34: {  	[smem:$0x3FBA] =	sst s10  }
0x35: {  	s10 =	sld [smem:$0x3FB9];
	_ =	sdelay $0x3  }
0x36: {  	p1 =	seq.s32 s10, $0x1;
	s10 =	sld [smem:$0x3FBA];
	_ =	sdelay $0x3  }
0x37: {  	[smem:$0x3FBA] =	sst s10  }
0x38: {  	s10 =	sld [smem:$0x3FBB]  }
0x39: {  	_ = 	snop;
	(pc) =	sbr.ind lr, $3  }
0x3a: {  	_ = 	snop  }
0x3b: {  	_ = 	snop  }
0x3c: {  	p2 =	seq.s32 s10, $0x1;
	s10 =	sld [smem:$0x3FBA]  }
0x3d: {  	_ =	shalt  }
0x3e: {  	_ =	shalt  }
0x3f: {  	_ =	shalt  }
0x40: {  	_ =	shalt  }
0x41: {  	_ =	shalt  }
0x42: {  	_ =	shalt  }
0x43: {  	_ =	shalt  }
0x44: {  	_ =	shalt  }
0x45: {  	_ =	shalt  }
0x46: {  	_ =	shalt  }
0x47: {  	_ =	shalt  }
0x48: {  	_ =	shalt  }
0x49: {  	_ =	shalt  }
0x4a: {  	_ =	shalt  }
0x4b: {  	_ =	shalt  }
0x4c: {  	_ =	shalt  }
0x4d: {  	_ =	shalt  }
0x4e: {  	_ =	shalt  }
0x4f: {  	_ =	shalt  }
0x50: {  	_ =	shalt  }
0x51: {  	_ =	shalt  }
0x52: {  	_ =	shalt  }
0x53: {  	_ =	shalt  }
0x54: {  	_ =	shalt  }
0x55: {  	_ =	shalt  }
0x56: {  	_ =	shalt  }
0x57: {  	_ =	shalt  }
0x58: {  	_ =	shalt  }
0x59: {  	_ =	shalt  }
0x5a: {  	_ =	shalt  }
0x5b: {  	_ =	shalt  }
0x5c: {  	_ =	shalt  }
0x5d: {  	_ =	shalt  }
0x5e: {  	_ =	shalt  }
0x5f: {  	_ =	shalt  }
0x60: {  	_ =	shalt  }
0x61: {  	_ =	shalt  }
0x62: {  	_ =	shalt  }
0x63: {  	_ =	shalt  }
0x64: {  	_ =	shalt  }
0x65: {  	_ =	shalt  }
0x66: {  	_ =	shalt  }
0x67: {  	_ =	shalt  }
0x68: {  	_ =	shalt  }
0x69: {  	_ =	shalt  }
0x6a: {  	_ =	shalt  }
0x6b: {  	_ =	shalt  }
0x6c: {  	_ =	shalt  }
0x6d: {  	_ =	shalt  }
0x6e: {  	_ =	shalt  }
0x6f: {  	_ =	shalt  }
0x70: {  	_ =	shalt  }
0x71: {  	_ =	shalt  }
0x72: {  	_ =	shalt  }
0x73: {  	_ =	shalt  }
0x74: {  	_ =	shalt  }
0x75: {  	_ =	shalt  }
0x76: {  	_ =	shalt  }
0x77: {  	_ =	shalt  }
0x78: {  	_ =	shalt  }
0x79: {  	_ =	shalt  }
0x7a: {  	_ =	shalt  }
0x7b: {  	_ =	shalt  }
0x7c: {  	_ =	shalt  }
0x7d: {  	_ =	shalt  }
0x7e: {  	_ =	shalt  }
0x7f: {  	_ =	shalt  }
0x80: {  	_ =	shalt  }
0x81: {  	_ =	shalt  }
0x82: {  	_ =	shalt  }
0x83: {  	_ =	shalt  }
0x84: {  	_ =	shalt  }
0x85: {  	_ =	shalt  }
0x86: {  	_ =	shalt  }
0x87: {  	_ =	shalt  }
.Lfunc_end0:
.L_simem_size_0:
called_computation.1_lowered:
.L_overlay_start_0:
0x88: {  	s2 =	sld [smem:$0x3FD9]  }
0x89: {  	s3 =	sld [smem:$0x3FFE];
	_ =	sdelay $0x1  }
0x8a: {  	s1 =	srdreg.scid  }
0x8b: {  	s0 =	sand.u32 $0x1, s1  }
0x8c: {  	s17 =	sshll.u32 s0, $0xA;
	s2 =	sadd.s32 s3, s2  }
0x8d: {  	s2 =	sadd.s32 s2, s17  }
0x8e: {  	[smem:$0x3FC6] =	sst s2  }
0x8f: {  	_ = 	snop  }
0x90: {  	s2 =	sld [smem:$0x3FC8]  }
0x91: {  	s18 =	sld [smem:$0x3FD0];
	(tm) =	ssettm $0x1  }
0x92: {  	s4 =	sld [smem:$0x3FFB];
	_ =	sdelay $0x3  }
0x93: {  	_ =	strace s4  }
0x94: {  	s4 =	sld [smem:$0x3FFC];
	_ =	sdelay $0x3  }
0x95: {  	_ =	strace s4  }
0x96: {  	s4 =	sld [smem:$0x3FFD];
	_ =	sdelay $0x3  }
0x97: {  	_ =	strace s4  }
0x98: {  	_ =	strace $0x8FFFFFFF  }
0x99: {  	s19 =	sld [smem:$0x3FDB];
	_ =	sdelay $0x1  }
0x9a: {  	s5 =	simm.s32 $_scs_section_size  }
0x9b: {  	s6 =	simm.s32 $_size__tile_overlayer_lowered;
	s7 =	simm.s32 $_tile_overlayer_lowered  }
0x9c: {  	s22 =	simm.s32 $0x1BFF;
	s21 =	sshll.u32 s7, $0x1;
	s4 =	sadd.s32 s5, s19  }
0x9d: {  	s8 =	simm.s32 $0x0;
	s20 =	sshll.u32 s6, $0x1;
	s6 =	sadd.s32 s21, s4  }
0x9e: {  	[timem:s8], [sflag:s22] =	dma.local [hbm:s6], s20  }
0x9f: {  	_ =	swait.ge [sflag:s22], s20  }
0xa0: {  	s5 =	ssub.s32 $0x0, s20;
	[sflag:s22] =	ssyncset.done $0x0  }
0xa1: {  	[sflag:s22] =	ssyncadd.s32 s5;
	_ =	sdelay $0x1  }
0xa2: {  	s23 =	simm.s32 $0x1B8B  }
0xa3: {  	_ =	swait.ge [sflag:s23], $0x1  }
0xa4: {  	[sflag:s23] =	ssyncset.done $0x0  }
0xa5: {  	s25 =	simm.s32 $0x1B8E;
	s24 =	sld [smem:$0x3FFE];
	[sflag:s23] =	ssyncadd.s32 $0xFFFFFFFF  }
0xa6: {  	s26 =	simm.s32 $execute0_lowered;
	[smem:$0x3FD2] =	sst s25  }
0xa7: {  	s6 =	sshll.u32 s26, $0x1;
	_ =	strace $0x80000046;
	[dreg:$0x1] =	wrdreg $0xFFFFFFFF  }
0xa8: {  	s28 =	simm.s32 $_size_execute0_lowered;
	s4 =	sadd.s32 s4, s6;
	[dreg:$0x0] =	wrdreg $0x0  }
0xa9: {  	s6 =	sshll.u32 s28, $0x1;
	[dreg:$0x2] =	wrdreg s4  }
0xaa: {  	[dreg:$0x3] =	wrdreg s6  }
0xab: {  	[dreg:$0x4] =	wrdreg $0xC0  }
0xac: {  	_ =	task [dreg:s8], $0x5FFFF  }
0xad: {  	[dreg:$0x1] =	wrdreg $0xFFFFFFFF  }
0xae: {  	[dreg:$0x0] =	wrdreg $0x60  }
0xaf: {  	[dreg:$0x2] =	wrdreg s24  }
0xb0: {  	[dreg:$0x3] =	wrdreg s2  }
0xb1: {  	[dreg:$0x4] =	wrdreg s18  }
0xb2: {  	[dreg:$0x5] =	wrdreg $0x9  }
0xb3: {  	_ =	task.clear_ibuf [dreg:s8], $0x6FFFF;
	_ =	strace $0x90000046  }
0xb4: {  	s29 =	simm.s32 $0x9;
	_ =	strace $0x80000048  }
0xb5: {  	_ =	swait.ge [sflag:s29], $0x1  }
0xb6: {  	[sflag:s29] =	ssyncadd.s32 $0xFFFFFFFF  }
0xb7: {  	_ =	strace $0x90000048  }
0xb8: {  	_ =	sfence  }
0xb9: {  	s30 =	sld [smem:$0x0];
	_ =	sdelay $0x2  }
0xba: {  	s31 =	sshll.u32 s1, $0xD;
	s1 =	sshrl.u32 s1, $0x2  }
0xbb: {  	s3 =	sand.u32 $0x4000, s31;
	s1 =	sadd.s32 s1, s30  }
0xbc: {  	s0 =	sor.u32 s3, s0;
	s1 =	sshll.u32 s1, $0x11  }
0xbd: {  	s0 =	sor.u32 s1, s0  }
0xbe: {  	s0 =	sadd.s32 $0x8F2B, s0  }
0xbf: {  	[sflag:s0] =	ssyncadd.remote.s32 $0x1  }
0xc0: {  	_ =	sfence.sel $0xFFFF  }
0xc1: {  	[dreg:$0x0] =	wrdreg $0xFFFFFFFF;
	(pc) =	sbr.abs _section_cstart, $3  }
0xc2: {  	[dreg:$0x1] =	wrdreg $0xFFFFFFFF  }
0xc3: {  	_ =	task.clear_ibuf [dreg:s8], $0x2FFFF;
	_ =	strace $0x9FFFFFFF  }
0xc4: {  	(tm) =	ssettm $0x7FFFFFFF  }
0xc5: {  	_ =	shalt  }
tec
execute0_lowered:
.L_overlay_start_1:
0x0: {  	(tag) =	ssettag $0x1  }
0x1: {  	s0 =	rddreg [dreg:$0x0]  }
0x2: {  	s1 =	rddreg [dreg:$0x1];
	s3 =	simm.s32 $0x0;
	s2 =	srdreg.scid  }
0x3: {  	s5 =	stileid.u32;
	s16 =	simm.s32 $0x80;
	s28 =	simm.s32 $0x5  }
0x4: {  	s29 =	simm.s32 $0x12400;
	s30 =	simm.s32 $0x6;
	s31 =	simm.s32 $0x14400  }
0x5: {  	s2 =	sand.u32 $0x1, s2;
	s4 =	sshll.u32 s5, $0x1;
	s5 =	smul.u32 $0x320000, s5  }
0x6: {  	s6 =	ssub.s32 $0x2, s2;
	s4 =	sor.u32 s2, s4;
	s2 =	smul.u32 $0x190000, s2  }
0x7: {  	[smem:$0x7FF] =	sst s3;
	s7 =	sshrl.u32 s6, $0x1;
	s8 =	smul.u32 $0xC80, s4  }
0x8: {  	_ =	strace $0x80000047;
	s4 =	sadd.s32 $0xF42C00, s0;
	s17 =	ssub.s32 s6, s7  }
0x9: {  	s2 =	sadd.s32 s2, s5;
	s6 =	simm.s32 $0xC;
	s1 =	sadd.s32 s1, s8  }
0xa: {  	s18 =	sor.u32 $0x4000, s2;
	s5 =	sor.u32 $0x2000, s2;
	s0 =	smax.u32 s17, $0x1  }
0xb: {  	s21 =	sshrl.u32 s2, $0x3;
	s22 =	sor.u32 $0xE000, s2;
	s23 =	sor.u32 $0xC000, s2  }
0xc: {  	s24 =	sor.u32 $0xA000, s2;
	s25 =	sor.u32 $0x8000, s2;
	s26 =	sor.u32 $0x6000, s2  }
0xd: {  	s2 =	simm.s32 $0x8;
	s8 =	simm.s32 $0x0;
	[dreg:$0x4] =	wrdreg s1  }
0xe: {  	[dreg:$0x5] =	wrdreg s0;
	s19 =	sshrl.u32 s18, $0x3;
	s20 =	sshrl.u32 s5, $0x3  }
0xf: {  	[dreg:$0x8] =	wrdreg s21;
	s10 =	sshrl.u32 s22, $0x3;
	s11 =	sshrl.u32 s23, $0x3  }
.Ltmp0:
0x10: {  	s12 =	sshrl.u32 s24, $0x3;
	s13 =	sshrl.u32 s25, $0x3;
	(pc) =	sbr.rel .LBB2_1-.Ltmp0, $4  }
0x11: {  	s14 =	sshrl.u32 s26, $0x3;
	s21 =	simm.s32 $0x2;
	s22 =	simm.s32 $0xC400  }
0x12: {  	s23 =	simm.s32 $0x3;
	s24 =	simm.s32 $0xE400;
	s25 =	simm.s32 $0x4  }
0x13: {  	s26 =	simm.s32 $0x10400;
	s0 =	simm.s32 $0x7;
	[dreg:$0x6] =	wrdreg s19  }
0x14: {  	s1 =	simm.s32 $0x9;
	[dreg:$0x7] =	wrdreg s20;
	s20 =	simm.s32 $0xA400  }
.LBB2_4:
0x15: {  	s5 =	simm.s32 $0xA  }
0x16: {  	_ =	swait.ge [sflag:s5], $0x2000  }
0x17: {  	[sflag:s5] =	ssyncset.done $0x0  }
0x18: {  	s8 =	simm.s32 $0xB;
	[sflag:s5] =	ssyncadd.s32 $0xFFFFE000  }
0x19: {  	_ =	swait.ge [sflag:s8], $0x2000  }
0x1a: {  	[sflag:s8] =	ssyncset.done $0x0  }
0x1b: {  	[sflag:s8] =	ssyncadd.s32 $0xFFFFE000  }
0x1c: {  	_ =	swait.ge [sflag:s6], $0x2000  }
0x1d: {  	[sflag:s6] =	ssyncset.done $0x0  }
0x1e: {  	s9 =	simm.s32 $0xD;
	[sflag:s6] =	ssyncadd.s32 $0xFFFFE000  }
0x1f: {  	_ =	swait.ge [sflag:s9], $0x2000  }
0x20: {  	[sflag:s9] =	ssyncset.done $0x0  }
0x21: {  	s15 =	simm.s32 $0xE;
	[sflag:s9] =	ssyncadd.s32 $0xFFFFE000  }
0x22: {  	_ =	swait.ge [sflag:s15], $0x2000  }
0x23: {  	[sflag:s15] =	ssyncset.done $0x0  }
0x24: {  	s17 =	simm.s32 $0xF;
	[sflag:s15] =	ssyncadd.s32 $0xFFFFE000  }
0x25: {  	_ =	swait.ge [sflag:s17], $0x2000  }
0x26: {  	[sflag:s17] =	ssyncset.done $0x0  }
0x27: {  	s18 =	simm.s32 $0x10;
	[sflag:s17] =	ssyncadd.s32 $0xFFFFE000  }
0x28: {  	_ =	swait.ge [sflag:s18], $0x2000  }
0x29: {  	[sflag:s18] =	ssyncset.done $0x0  }
0x2a: {  	s7 =	simm.s32 $0x11;
	[sflag:s18] =	ssyncadd.s32 $0xFFFFE000  }
0x2b: {  	_ =	swait.ge [sflag:s7], $0x2000  }
0x2c: {  	s8 =	rddreg [dreg:$0x9]  }
0x2d: {  	s19 =	rddreg [dreg:$0x5];
	s8 =	sadd.s32 $0x1, s8  }
0x2e: {  	p0 =	sne.s32 s8, s19  }
.Ltmp1:
0x2f: {  	_ = 	snop;
	(pc) =	sbr.rel @!p0 .LBB2_5-.Ltmp1, $3  }
0x30: {  	_ =	sdelay $0x1  }
0x31: {  	[sflag:s7] =	ssyncset.done $0x0  }
0x32: {  	[sflag:s7] =	ssyncadd.s32 $0xFFFFE000  }
.LBB2_1:
0x33: {  	[dreg:$0x9] =	wrdreg s8  }
0x34: {  	s5 =	rddreg [dreg:$0x4];
	s15 =	simm.s32 $0x1  }
0x35: {  	[tilespmem:s3], [sflag:$0x1] =	stream.linear.gather [hbm4b:s5+s3], $0x6400, $0x38;
	[tilespmem:$0x16400] =	vst v63  }
0x36: {  	_ =	swait.ge [sflag:s15], $0x6400  }
0x37: {  	[sflag:s15] =	ssyncset.done $0x0  }
0x38: {  	s17 =	simm.s32 $0x6400;
	[sflag:s15] =	ssyncadd.s32 $0xFFFF9C00  }
0x39: {  	[tilespmem:s17], [sflag:$0x2] =	stream.indirect.gather [hbm4b:s4+s16], $0x40, s3, s16, $0xb8;
	[tilespmem:$0x16400] =	vst v63  }
0x3a: {  	s18 =	simm.s32 $0x8400  }
0x3b: {  	[tilespmem:s18], [sflag:$0x3] =	stream.indirect.gather [hbm4b:s4+s16], $0x40, s16, s16, $0xb8;
	[tilespmem:$0x16400] =	vst v63  }
0x3c: {  	s19 =	simm.s32 $0x100  }
0x3d: {  	[tilespmem:s20], [sflag:$0x4] =	stream.indirect.gather [hbm4b:s4+s16], $0x40, s19, s16, $0xb8;
	[tilespmem:$0x16400] =	vst v63  }
0x3e: {  	s5 =	simm.s32 $0x0;
	s15 =	simm.s32 $0x3;
	s19 =	rddreg [dreg:$0x2]  }
.LBB2_2:
0x3f: {  	_ =	swait.ge [sflag:s21], $0x2000;
	s8 =	simm.s32 $0x6400  }
0x40: {  	p0 =	seq.s32 s5, $0x0;
	[sflag:s21] =	ssyncset.done $0x0;
	s7 =	rddreg [dreg:$0x8]  }
0x41: {  	s18 =	simm.s32 @!p0 $0xD;
	[sflag:s21] =	ssyncadd.s32 $0xFFFFE000;
	s17 =	sadd.s32 s19, s7  }
0x42: {  	[hbm4b:s17+s3] =	stream.linear.scatter [tilespmem:s8], [sflag:$0xA], $0x2000, $0x38;
	[tilespmem:$0x16400] =	vst v63  }
0x43: {  	_ =	swait.ge @!p0 [sflag:s18], $0x2000  }
0x44: {  	s17 =	sshra.s32 s5, $0x2;
	[sflag:s18] =	ssyncset.done @!p0 $0x0  }
0x45: {  	s9 =	sadd.s32 $0x180, s17;
	[sflag:s18] =	ssyncadd.s32 @!p0 $0xFFFFE000  }
0x46: {  	[tilespmem:s22], [sflag:$0x5] =	stream.indirect.gather [hbm4b:s4+s16], $0x40, s9, s16, $0xb8;
	[tilespmem:$0x16400] =	vst v63  }
0x47: {  	_ =	swait.ge [sflag:s23], $0x2000  }
0x48: {  	s8 =	simm.s32 $0x8400;
	[sflag:s23] =	ssyncset.done $0x0;
	s18 =	rddreg [dreg:$0x7]  }
0x49: {  	[sflag:s23] =	ssyncadd.s32 $0xFFFFE000;
	s7 =	sadd.s32 s19, s18;
	s18 =	simm.s32 @!p0 $0xE  }
0x4a: {  	[hbm4b:s7+s3] =	stream.linear.scatter [tilespmem:s8], [sflag:$0xB], $0x2000, $0x38;
	[tilespmem:$0x16400] =	vst v63  }
0x4b: {  	_ =	swait.ge @!p0 [sflag:s18], $0x2000  }
0x4c: {  	[sflag:s18] =	ssyncset.done @!p0 $0x0  }
0x4d: {  	s9 =	sadd.s32 $0x200, s17;
	[sflag:s18] =	ssyncadd.s32 @!p0 $0xFFFFE000  }
0x4e: {  	[tilespmem:s24], [sflag:$0x6] =	stream.indirect.gather [hbm4b:s4+s16], $0x40, s9, s16, $0xb8;
	[tilespmem:$0x16400] =	vst v63  }
0x4f: {  	_ =	swait.ge [sflag:s25], $0x2000  }
0x50: {  	[sflag:s25] =	ssyncset.done $0x0;
	s18 =	rddreg [dreg:$0x6]  }
0x51: {  	[sflag:s25] =	ssyncadd.s32 $0xFFFFE000;
	s8 =	sadd.s32 s19, s18;
	s18 =	simm.s32 @!p0 $0xF  }
0x52: {  	[hbm4b:s8+s3] =	stream.linear.scatter [tilespmem:s20], [sflag:$0xC], $0x2000, $0x38;
	[tilespmem:$0x16400] =	vst v63  }
0x53: {  	_ =	swait.ge @!p0 [sflag:s18], $0x2000  }
0x54: {  	[sflag:s18] =	ssyncset.done @!p0 $0x0  }
0x55: {  	s9 =	sadd.s32 $0x280, s17;
	[sflag:s18] =	ssyncadd.s32 @!p0 $0xFFFFE000  }
0x56: {  	[tilespmem:s26], [sflag:$0x7] =	stream.indirect.gather [hbm4b:s4+s16], $0x40, s9, s16, $0xb8;
	[tilespmem:$0x16400] =	vst v63  }
0x57: {  	_ =	swait.ge [sflag:s28], $0x2000  }
0x58: {  	p1 =	slt.u32 s15, $0x5;
	[sflag:s28] =	ssyncset.done $0x0  }
0x59: {  	s7 =	sadd.s32 s19, s14;
	s18 =	simm.s32 @!p1 $0x10;
	[sflag:s28] =	ssyncadd.s32 $0xFFFFE000  }
0x5a: {  	[hbm4b:s7+s3] =	stream.linear.scatter [tilespmem:s22], [sflag:$0xD], $0x2000, $0x38;
	[tilespmem:$0x16400] =	vst v63  }
0x5b: {  	_ =	swait.ge @!p1 [sflag:s18], $0x2000  }
0x5c: {  	[sflag:s18] =	ssyncset.done @!p1 $0x0  }
0x5d: {  	s8 =	sadd.s32 $0x300, s17;
	[sflag:s18] =	ssyncadd.s32 @!p1 $0xFFFFE000  }
0x5e: {  	[tilespmem:s29], [sflag:$0x8] =	stream.indirect.gather [hbm4b:s4+s16], $0x40, s8, s16, $0xb8;
	[tilespmem:$0x16400] =	vst v63  }
0x5f: {  	_ =	swait.ge [sflag:s30], $0x2000  }
0x60: {  	[sflag:s30] =	ssyncset.done $0x0  }
0x61: {  	s9 =	sadd.s32 s19, s13;
	s18 =	simm.s32 @!p0 $0x11;
	[sflag:s30] =	ssyncadd.s32 $0xFFFFE000  }
0x62: {  	[hbm4b:s9+s3] =	stream.linear.scatter [tilespmem:s24], [sflag:$0xE], $0x2000, $0x38;
	[tilespmem:$0x16400] =	vst v63  }
0x63: {  	_ =	swait.ge @!p0 [sflag:s18], $0x2000  }
0x64: {  	[sflag:s18] =	ssyncset.done @!p0 $0x0  }
0x65: {  	s7 =	sadd.s32 $0x380, s17;
	[sflag:s18] =	ssyncadd.s32 @!p0 $0xFFFFE000  }
0x66: {  	[tilespmem:s31], [sflag:$0x9] =	stream.indirect.gather [hbm4b:s4+s16], $0x40, s7, s16, $0xb8;
	[tilespmem:$0x16400] =	vst v63  }
0x67: {  	_ =	swait.ge [sflag:s0], $0x2000  }
0x68: {  	p0 =	seq.s32 s5, $0x18000;
	[sflag:s0] =	ssyncset.done $0x0  }
0x69: {  	s8 =	sadd.s32 s19, s12;
	s18 =	simm.s32 @!p0 $0xA;
	[sflag:s0] =	ssyncadd.s32 $0xFFFFE000  }
0x6a: {  	[hbm4b:s8+s3] =	stream.linear.scatter [tilespmem:s26], [sflag:$0xF], $0x2000, $0x38;
	[tilespmem:$0x16400] =	vst v63  }
0x6b: {  	_ =	swait.ge @!p0 [sflag:s18], $0x2000  }
0x6c: {  	[sflag:s18] =	ssyncset.done @!p0 $0x0  }
0x6d: {  	[sflag:s18] =	ssyncadd.s32 @!p0 $0xFFFFE000;
	s18 =	sshra.s32 @!p0 s5, $0x2  }
0x6e: {  	s9 =	simm.s32 @!p0 $0x6400;
	s8 =	simm.s32 @!p0 $0x80;
	s7 =	sadd.s32 @!p0 $0x400, s18  }
0x6f: {  	[tilespmem:s9], [sflag:$0x2] =	stream.indirect.gather @!p0 [hbm4b:s4+s8], $0x40, s7, s8, $0xb8;
	[tilespmem:$0x16400] =	vst v63  }
0x70: {  	_ =	swait.ge [sflag:s2], $0x2000  }
0x71: {  	[sflag:s2] =	ssyncset.done $0x0  }
0x72: {  	s9 =	sadd.s32 s19, s11;
	s7 =	simm.s32 @!p0 $0xB;
	[sflag:s2] =	ssyncadd.s32 $0xFFFFE000  }
0x73: {  	[hbm4b:s9+s3] =	stream.linear.scatter [tilespmem:s29], [sflag:$0x10], $0x2000, $0x38;
	[tilespmem:$0x16400] =	vst v63  }
0x74: {  	_ =	swait.ge @!p0 [sflag:s7], $0x2000  }
0x75: {  	[sflag:s7] =	ssyncset.done @!p0 $0x0  }
0x76: {  	s9 =	simm.s32 @!p0 $0x8400;
	[sflag:s7] =	ssyncadd.s32 @!p0 $0xFFFFE000;
	s7 =	sadd.s32 @!p0 $0x480, s18  }
0x77: {  	[tilespmem:s9], [sflag:$0x3] =	stream.indirect.gather @!p0 [hbm4b:s4+s8], $0x40, s7, s8, $0xb8;
	[tilespmem:$0x16400] =	vst v63  }
.Ltmp2:
0x78: {  	_ = 	snop;
	(pc) =	sbr.rel @p0 .LBB2_4-.Ltmp2, $4  }
0x79: {  	_ =	swait.ge [sflag:s1], $0x2000  }
0x7a: {  	[sflag:s1] =	ssyncset.done $0x0  }
0x7b: {  	s18 =	sadd.s32 s19, s10;
	[sflag:s1] =	ssyncadd.s32 $0xFFFFE000  }
0x7c: {  	[hbm4b:s18+s3] =	stream.linear.scatter [tilespmem:s31], [sflag:$0x11], $0x2000, $0x38;
	[tilespmem:$0x16400] =	vst v63  }
.Ltmp3:
0x7d: {  	(pc) =	sbr.rel .LBB2_2-.Ltmp3, $4  }
0x7e: {  	_ =	swait.ge [sflag:s6], $0x2000  }
0x7f: {  	s7 =	sadd.s32 $0x500, s17;
	s5 =	sadd.s32 $0x1000, s5;
	[sflag:s6] =	ssyncset.done $0x0  }
0x80: {  	s19 =	sadd.s32 $0x2000, s19;
	s15 =	sadd.s32 $0x8, s15;
	[sflag:s6] =	ssyncadd.s32 $0xFFFFE000  }
0x81: {  	[tilespmem:s20], [sflag:$0x4] =	stream.indirect.gather [hbm4b:s4+s16], $0x40, s7, s16, $0xb8;
	[tilespmem:$0x16400] =	vst v63  }
.LBB2_5:
0x82: {  	_ =	sfence.sel $0x180000  }
0x83: {  	[bflag:$0x0] =	sbarrier.arrive $0xFFFF  }
0x84: {  	_ =	strace $0x90000047  }
0x85: {  	s0 =	stileid.u32;
	[bflag:$0x2] =	sbarrier.arrive $0xFFFF  }
0x86: {  	p0 =	sne.s32 s0, $0x0;
	s0 =	rddreg [dreg:$0x3]  }
0x87: {  	s0 =	sadd.s32 @!p0 $0x100000, s0  }
0x88: {  	[sflag:s0] =	ssyncadd.tile.s32 @!p0 $0x1;
	_ =	shalt  }
.Lfunc_end2:
_tile_overlayer_lowered:
.L_overlay_start_2:
0x89: {  	(tag) =	ssettag $0x2  }
0x8a: {  	s0 =	rddreg [dreg:$0x0];
	s2 =	stileid.u32  }
0x8b: {  	s1 =	rddreg [dreg:$0x1];
	p0 =	sne.s32 s2, $0x0  }
0x8c: {  	s3 =	rddreg [dreg:$0x2];
	[bflag:$0x3] =	sbarrier.arrive $0xFFFF;
	s2 =	simm.s32 @!p0 $0x1C12  }
0x8d: {  	[timem:s3], [sflag:s2] =	dma.local @!p0 [hbm:s0], s1  }
0x8e: {  	s0 =	simm.s32 @!p0 $0x12  }
0x8f: {  	_ =	swait.ge @!p0 [sflag:s0], s1  }
0x90: {  	s1 =	ssub.s32 @!p0 $0x0, s1;
	[sflag:s0] =	ssyncset.done @!p0 $0x0  }
0x91: {  	[sflag:s0] =	ssyncadd.s32 @!p0 s1  }
0x92: {  	[bflag:$0x3] =	sbarrier.arrive $0xFFFF  }
0x93: {  	_ =	shalt  }

// kernel: sparse-core-data-format-call.cloned.1.call-start
scs
called_computation_lowered:
.L_overlay_start_0:
0x0: {  	s2 =	sld [smem:$0x3FD9]  }
0x1: {  	s3 =	sld [smem:$0x3FFE];
	_ =	sdelay $0x1  }
0x2: {  	s1 =	srdreg.scid  }
0x3: {  	s0 =	sand.u32 $0x1, s1  }
0x4: {  	s18 =	sshll.u32 s0, $0xA;
	s2 =	sadd.s32 s3, s2  }
0x5: {  	s2 =	sadd.s32 s2, s18  }
0x6: {  	[smem:$0x3FC6] =	sst s2  }
0x7: {  	_ = 	snop  }
0x8: {  	s2 =	sld [smem:$0x3FD0];
	(tm) =	ssettm $0x1  }
0x9: {  	s19 =	sld [smem:$0x3FFB];
	_ =	sdelay $0x3  }
0xa: {  	_ =	strace s19  }
0xb: {  	s3 =	sld [smem:$0x3FFC];
	_ =	sdelay $0x3  }
0xc: {  	_ =	strace s3  }
0xd: {  	s3 =	sld [smem:$0x3FFD];
	_ =	sdelay $0x3  }
0xe: {  	_ =	strace s3  }
0xf: {  	_ =	strace $0x8FFFFFFF  }
0x10: {  	s20 =	sld [smem:$0x3FDB];
	_ =	sdelay $0x1  }
0x11: {  	s4 =	simm.s32 $_scs_section_size  }
0x12: {  	s5 =	simm.s32 $_size__tile_overlayer_lowered;
	s6 =	simm.s32 $_tile_overlayer_lowered  }
0x13: {  	s23 =	simm.s32 $0x1BFF;
	s22 =	sshll.u32 s6, $0x1;
	s3 =	sadd.s32 s4, s20  }
0x14: {  	s7 =	simm.s32 $0x0;
	s21 =	sshll.u32 s5, $0x1;
	s5 =	sadd.s32 s22, s3  }
0x15: {  	[timem:s7], [sflag:s23] =	dma.local [hbm:s5], s21  }
0x16: {  	_ =	swait.ge [sflag:s23], s21  }
0x17: {  	s4 =	ssub.s32 $0x0, s21;
	[sflag:s23] =	ssyncset.done $0x0  }
0x18: {  	[sflag:s23] =	ssyncadd.s32 s4;
	_ =	sdelay $0x1  }
0x19: {  	s24 =	simm.s32 $0x1B8B  }
0x1a: {  	_ =	swait.ge [sflag:s24], $0x1  }
0x1b: {  	[sflag:s24] =	ssyncset.done $0x0  }
0x1c: {  	s26 =	simm.s32 $0x1B8E;
	s25 =	sld [smem:$0x3FFE];
	[sflag:s24] =	ssyncadd.s32 $0xFFFFFFFF  }
0x1d: {  	s27 =	simm.s32 $execute0_lowered;
	[smem:$0x3FD2] =	sst s26  }
0x1e: {  	s5 =	sshll.u32 s27, $0x1;
	_ =	strace $0x80000049;
	[dreg:$0x1] =	wrdreg $0xFFFFFFFF  }
0x1f: {  	s28 =	simm.s32 $_size_execute0_lowered;
	s3 =	sadd.s32 s3, s5;
	[dreg:$0x0] =	wrdreg $0x0  }
0x20: {  	s5 =	sshll.u32 s28, $0x1;
	[dreg:$0x2] =	wrdreg s3  }
0x21: {  	[dreg:$0x3] =	wrdreg s5  }
0x22: {  	[dreg:$0x4] =	wrdreg $0xC0  }
0x23: {  	_ =	task [dreg:s7], $0x5FFFF  }
0x24: {  	[dreg:$0x1] =	wrdreg $0xFFFFFFFF  }
0x25: {  	[dreg:$0x0] =	wrdreg $0x60  }
0x26: {  	[dreg:$0x2] =	wrdreg s25  }
0x27: {  	[dreg:$0x3] =	wrdreg s2  }
0x28: {  	[dreg:$0x4] =	wrdreg $0x9  }
0x29: {  	_ =	task.clear_ibuf [dreg:s7], $0x5FFFF;
	_ =	strace $0x90000049  }
0x2a: {  	s29 =	simm.s32 $0x9;
	_ =	strace $0x8000004B  }
0x2b: {  	_ =	swait.ge [sflag:s29], $0x1  }
0x2c: {  	[sflag:s29] =	ssyncadd.s32 $0xFFFFFFFF  }
0x2d: {  	_ =	strace $0x9000004B  }
0x2e: {  	_ =	sfence  }
0x2f: {  	s30 =	sld [smem:$0x0];
	_ =	sdelay $0x2  }
0x30: {  	s31 =	sshll.u32 s1, $0xD;
	s1 =	sshrl.u32 s1, $0x2  }
0x31: {  	s3 =	sand.u32 $0x4000, s31;
	s1 =	sadd.s32 s1, s30  }
0x32: {  	s0 =	sor.u32 s3, s0;
	s1 =	sshll.u32 s1, $0x11  }
0x33: {  	s0 =	sor.u32 s1, s0  }
0x34: {  	s0 =	sadd.s32 $0x8F2B, s0  }
0x35: {  	[sflag:s0] =	ssyncadd.remote.s32 $0x1  }
0x36: {  	_ =	sfence.sel $0xFFFF  }
0x37: {  	[dreg:$0x0] =	wrdreg $0xFFFFFFFF;
	(pc) =	sbr.abs _section_cstart, $3  }
0x38: {  	[dreg:$0x1] =	wrdreg $0xFFFFFFFF  }
0x39: {  	_ =	task.clear_ibuf [dreg:s7], $0x2FFFF;
	_ =	strace $0x9FFFFFFF  }
0x3a: {  	(tm) =	ssettm $0x7FFFFFFF  }
0x3b: {  	_ =	shalt  }
tec
execute0_lowered:
.L_overlay_start_1:
0x0: {  	(tag) =	ssettag $0x1  }
0x1: {  	s0 =	srdreg.scid  }
0x2: {  	s1 =	sshll.u32 s0, $0x4  }
0x3: {  	s4 =	rddreg [dreg:$0x0];
	s0 =	stileid.u32;
	s1 =	sand.u32 $0x10, s1  }
0x4: {  	s2 =	rddreg [dreg:$0x1];
	s7 =	simm.s32 $0x1;
	s1 =	sor.u32 s0, s1  }
0x5: {  	s8 =	simm.s32 $0x2;
	s11 =	simm.s32 $0x0;
	s3 =	sshll.u32 s1, $0x7  }
0x6: {  	s10 =	simm.s32 $0x0;
	s4 =	sadd.s32 $0x800, s4;
	s6 =	ssub.s32 $0xC8000, s3  }
.Ltmp0:
0x7: {  	s1 =	rddreg [dreg:$0x2];
	s5 =	sand.u32 $0xF80, s6;
	(pc) =	sbr.rel .LBB1_1-.Ltmp0, $4  }
0x8: {  	_ =	strace $0x8000004A;
	s9 =	smov.u32 s3;
	p0 =	sne.s32 s5, $0x0  }
0x9: {  	s6 =	sshrl.u32 s6, $0xC;
	s5 =	simm.s32 $0x1;
	s7 =	simm.s32 @!p0 $0x0  }
0xa: {  	[sflag:s5] =	ssyncpa.u1 $0x0;
	p0 =	por $0x0, $0x0;
	s6 =	sadd.s32 s7, s6  }
0xb: {  	[sflag:s8] =	ssyncpa.u1 $0x0;
	s8 =	simm.s32 $0x640000;
	s7 =	sadd.s32 $0x1, s6  }
.LBB1_4:
0xc: {  	s14 =	sshll.u32 s11, $0x3  }
0xd: {  	s30 =	sand.u32 $0x7F, s11;
	s15 =	sand.u32 $0xFFFFFC00, s14  }
0xe: {  	s11 =	sor.u32 s30, s15  }
0xf: {  	s15 =	smulhi.u32 $0x51EB851F, s11  }
0x10: {  	s14 =	smulhi.u32 $0x51EB851F, s14  }
0x11: {  	s15 =	sshrl.u32 s15, $0x12  }
0x12: {  	s14 =	sshrl.u32 s14, $0x12;
	s15 =	smul.u32 $0xC8000, s15  }
0x13: {  	s14 =	sand.u32 $0x3F, s14  }
0x14: {  	s14 =	smul.u32 $0x19000, s14;
	s11 =	ssub.s32 s11, s15  }
0x15: {  	[tilespmem:s13+$0x810 ss:$0x81] =	vst.msk $0xffff, v2;
	s15 =	sand.u32 $0x7, s11  }
0x16: {  	[tilespmem:s13+$0x1020 ss:$0x81] =	vst.msk $0xffff, v0;
	s14 =	sadd.s32 s2, s14;
	s11 =	sshrl.u32 s11, $0x3;
	s15 =	sshll.u32 s15, $0x12  }
0x17: {  	[tilespmem:s13+$0x0 ss:$0x81] =	vst.msk $0xffff, v1;
	s11 =	sadd.s32 s11, s14;
	s31 =	sor.u32 $0x400, s15  }
0x18: {  	[hbm4b:s11+s31] =	stream.strided.scatter [tilespmem:s12], [sflag:$0x2], $0x2000, s8, s31, $0x20;
	[tilespmem:$0x8080] =	vst v63  }
.LBB1_5:
0x19: {  	s13 =	sadd.s32 $0x1000, s9  }
0x1a: {  	p2 =	sgt.s32 s13, $0xC7FFF  }
0x1b: {  	s13 =	smov.u32 @p2 s3;
	p2 =	sne.s32 s10, s7  }
.Ltmp1:
0x1c: {  	p1 =	slt.u32 s10, $0x2;
	(pc) =	sbr.rel @!p2 .LBB1_6-.Ltmp1, $4  }
0x1d: {  	s12 =	simm.s32 @!p1 $0x2  }
0x1e: {  	s14 =	sadd.s32 $0x1, s10;
	_ =	swait.ge @!p1 [sflag:s12], $0x2000  }
0x1f: {  	s11 =	smov.u32 s9;
	p0 =	por !p0, !p0;
	[sflag:s12] =	ssyncset.done @!p1 $0x0  }
0x20: {  	s10 =	smov.u32 s14;
	s9 =	smov.u32 s13;
	[sflag:s12] =	ssyncadd.s32 @!p1 $0xFFFFE000  }
.LBB1_1:
0x21: {  	p1 =	sge.u32 s10, s6  }
0x22: {  	s12 =	sand.u32 @!p1 $0x1FFFFFF, s9  }
0x23: {  	s13 =	smulhi.u32 @!p1 $0x147AE15, s12;
	_ =	sdelay $0x1  }
0x24: {  	s13 =	sshrl.u32 @!p1 s13, $0xC  }
0x25: {  	s13 =	smul.u32 @!p1 $0xC8000, s13;
	_ =	sdelay $0x1  }
0x26: {  	s31 =	sadd.s32 $0xFFFFFFFF, s10;
	s14 =	sxor.u32 @!p1 $0xFFFFFFFF, s10;
	s12 =	ssub.s32 @!p1 s12, s13  }
0x27: {  	s15 =	simm.s32 @!p1 $0x80;
	s14 =	sshll.u32 @!p1 s14, $0xD;
	s12 =	sshll.u32 @!p1 s12, $0x4  }
0x28: {  	s13 =	sand.u32 @!p1 $0x2000, s14;
	s14 =	simm.s32 @!p1 $0x40;
	s12 =	sadd.s32 @!p1 s4, s12  }
0x29: {  	[tilespmem:s13], [sflag:$0x1] =	stream.strided.gather @!p1 [hbm4b:s12+s14], $0x2000, s15, s14, $0x38;
	[tilespmem:$0x8080] =	vst v63  }
0x2a: {  	p1 =	sge.u32 s31, s6  }
.Ltmp2:
0x2b: {  	_ = 	snop;
	(pc) =	sbr.rel @p1 .LBB1_5-.Ltmp2, $1  }
0x2c: {  	_ =	sdelay $0x3  }
0x2d: {  	s12 =	simm.s32 $0x1  }
0x2e: {  	_ =	swait.ge [sflag:s5], $0x2000;
	s12 =	simm.s32 @!p0 $0x0  }
0x2f: {  	[sflag:s5] =	ssyncset.done $0x0;
	s13 =	sshll.u32 s12, $0xD  }
0x30: {  	[sflag:s5] =	ssyncadd.s32 $0xFFFFE000;
	s16 =	sor.u32 $0x20, s13  }
0x31: {  	s12 =	smul.u32 $0x8100, s12;
	v3 =	vld [tilespmem:s16+$0x10]  }
0x32: {  	s30 =	sand.u32 $0x1, s10;
	v2 =	vld [tilespmem:s16+$0xFFFFFFF0]  }
0x33: {  	s13 =	smul.u32 $0x8100, s30;
	s12 =	sshrl.u32 s12, $0x2;
	v0 =	vld [tilespmem:s16+$0x0]  }
0x34: {  	v1 =	vld [tilespmem:s16+$0xFFFFFFE0];
	s14 =	sor.u32 $0x4000, s12  }
0x35: {  	s31 =	sshrl.u32 s13, $0x2;
	s13 =	sadd.s32 $0x0, s14  }
0x36: {  	s15 =	simm.s32 $0x4;
	s16 =	sadd.s32 $0x40, s16;
	s12 =	sor.u32 $0x4000, s31;
	[tilespmem:s13+$0x1830 ss:$0x81] =	vst.msk $0xffff, v3  }
.LBB1_3:
0x37: {  	v3 =	vld [tilespmem:s16+$0x10];
	p1 =	sne.s32 s15, $0x1FC;
	[tilespmem:s13+$0x810 ss:$0x81] =	vst.msk $0xffff, v2;
	s17 =	smov.u32 s15;
	s15 =	sadd.s32 $0x4, s15  }
.Ltmp3:
0x38: {  	v2 =	vld [tilespmem:s16+$0xFFFFFFF0];
	[tilespmem:s13+$0x1020 ss:$0x81] =	vst.msk $0xffff, v0;
	(pc) =	sbr.rel @p1 .LBB1_3-.Ltmp3, $4  }
0x39: {  	v0 =	vld [tilespmem:s16+$0x0];
	[tilespmem:s13+$0x0 ss:$0x81] =	vst.msk $0xffff, v1  }
0x3a: {  	s13 =	sshra.s32 s17, $0x2;
	v1 =	vld [tilespmem:s16+$0xFFFFFFE0]  }
0x3b: {  	s13 =	sadd.s32 s13, s14  }
0x3c: {  	s16 =	sadd.s32 $0x40, s16;
	[tilespmem:s13+$0x1830 ss:$0x81] =	vst.msk $0xffff, v3  }
.Ltmp4:
0x3d: {  	_ = 	snop;
	(pc) =	sbr.rel .LBB1_4-.Ltmp4, $1  }
0x3e: {  	_ =	sdelay $0x3  }
.LBB1_6:
0x3f: {  	_ =	sfence.sel $0x180000  }
0x40: {  	s2 =	simm.s32 $0x1;
	[bflag:$0x0] =	sbarrier.arrive $0xFFFF  }
0x41: {  	s31 =	simm.s32 $0x2;
	[sflag:s2] =	ssyncpa.u1 $0x1  }
0x42: {  	[sflag:s31] =	ssyncpa.u1 $0x1  }
0x43: {  	p0 =	sne.s32 s0, $0x0;
	_ =	strace $0x9000004A  }
0x44: {  	s0 =	sadd.s32 @!p0 $0x100000, s1;
	[bflag:$0x2] =	sbarrier.arrive $0xFFFF  }
0x45: {  	[sflag:s0] =	ssyncadd.tile.s32 @!p0 $0x1;
	_ =	shalt  }
.Lfunc_end1:
_tile_overlayer_lowered:
.L_overlay_start_2:
0x46: {  	(tag) =	ssettag $0x2  }
0x47: {  	s0 =	rddreg [dreg:$0x0];
	s2 =	stileid.u32  }
0x48: {  	s1 =	rddreg [dreg:$0x1];
	p0 =	sne.s32 s2, $0x0  }
0x49: {  	s3 =	rddreg [dreg:$0x2];
	[bflag:$0x3] =	sbarrier.arrive $0xFFFF;
	s2 =	simm.s32 @!p0 $0x1C01  }
0x4a: {  	[timem:s3], [sflag:s2] =	dma.local @!p0 [hbm:s0], s1  }
0x4b: {  	s0 =	simm.s32 @!p0 $0x1  }
0x4c: {  	_ =	swait.ge @!p0 [sflag:s0], s1  }
0x4d: {  	s1 =	ssub.s32 @!p0 $0x0, s1;
	[sflag:s0] =	ssyncset.done @!p0 $0x0  }
0x4e: {  	[sflag:s0] =	ssyncadd.s32 @!p0 s1  }
0x4f: {  	[bflag:$0x3] =	sbarrier.arrive $0xFFFF  }
0x50: {  	_ =	shalt  }

</sc_bundles>
